<compile_context>
chip_gen: v7x
topology: tpu7x:2x2x1
jax: 0.10.2.dev20260603
libtpu: 0.0.44.dev20260713+nightly
codegen_flags: <defaults>
</compile_context>

<pallas_src>
import functools

import jax
import jax.numpy as jnp
from jax import lax
from jax.experimental import pallas as pl
from jax.experimental.pallas import tpu as pltpu
from jax.experimental.pallas import tpu_sc as plsc

N_NODES = 100000
N_GRAPHS = 512
D_FEAT = 128
HIDDEN = 256
D_TARGET = 64

NC = 2
NS = 16
NW = NC * NS
CHUNK = 125
NCHUNK = 15
ROWS_PER_W = CHUNK * NCHUNK
SC_ROWS = NW * ROWS_PER_W

TC_BLK = 5000
TC_OFF = SC_ROWS // TC_BLK
TC_NBLK = (N_NODES - SC_ROWS) // TC_BLK



NBUF = 6
LAG = 2


def _sc_segsum_body(x_hbm, ids_hbm, zeros_hbm, part_hbm, *refs):
    idx_v = refs[0]
    bufs = refs[1:1 + NBUF]
    acc_sh = refs[1 + NBUF]
    sems_l = refs[2 + NBUF:2 + 2 * NBUF]
    sems_s = refs[2 + 2 * NBUF:2 + 3 * NBUF]

    c = lax.axis_index("c")
    s = lax.axis_index("s")
    wid = s * NC + c
    base = wid * ROWS_PER_W

    @pl.when(s == 0)
    def _zero():
        pltpu.sync_copy(zeros_hbm, acc_sh)

    pltpu.sync_copy(ids_hbm.at[pl.ds(wid * NCHUNK, NCHUNK)], idx_v)

    load_h = [None] * NCHUNK
    scat_h = [None] * NCHUNK
    for i in range(min(NBUF, NCHUNK)):
        load_h[i] = pltpu.async_copy(
            x_hbm.at[pl.ds(base + i * CHUNK, CHUNK)], bufs[i], sems_l[i])

    plsc.subcore_barrier()

    waited = set()
    for k in range(NCHUNK):
        load_h[k].wait()
        scat_h[k] = pltpu.async_copy(
            bufs[k % NBUF], acc_sh.at[idx_v.at[k]], sems_s[k % NBUF], add=True)
        nxt = k + NBUF - LAG
        if k >= LAG and nxt < NCHUNK:
            scat_h[k - LAG].wait()
            waited.add(k - LAG)
            load_h[nxt] = pltpu.async_copy(
                x_hbm.at[pl.ds(base + nxt * CHUNK, CHUNK)],
                bufs[nxt % NBUF], sems_l[nxt % NBUF])
    for k in range(NCHUNK):
        if k not in waited:
            scat_h[k].wait()

    plsc.subcore_barrier()

    @pl.when(s == 0)
    def _flush():
        pltpu.sync_copy(acc_sh, part_hbm.at[c])


def _sc_segsum(x, ids2d, zeros):
    mesh = plsc.VectorSubcoreMesh(core_axis_name="c", subcore_axis_name="s")
    f = pl.kernel(
        _sc_segsum_body,
        mesh=mesh,
        out_type=jax.ShapeDtypeStruct((NC, N_GRAPHS, D_FEAT), jnp.float32),
        scratch_types=(
            [pltpu.VMEM((NCHUNK, CHUNK), jnp.int32)]
            + [pltpu.VMEM((CHUNK, D_FEAT), jnp.float32) for _ in range(NBUF)]
            + [pltpu.VMEM_SHARED((N_GRAPHS, D_FEAT), jnp.float32)]
            + [pltpu.SemaphoreType.DMA for _ in range(2 * NBUF)]
        ),
        compiler_params=pltpu.CompilerParams(use_tc_tiling_on_sc=False),
        cost_estimate=pl.CostEstimate(
            flops=SC_ROWS * D_FEAT,
            bytes_accessed=2 * SC_ROWS * D_FEAT * 4,
            transcendentals=0,
        ),
    )
    return f(x, ids2d, zeros)



def _tc_segsum_body(batch_ref, x_ref, part_ref):
    i = pl.program_id(0)

    @pl.when(i == 0)
    def _init():
        part_ref[...] = jnp.zeros_like(part_ref)

    seg = lax.broadcasted_iota(jnp.int32, (N_GRAPHS, TC_BLK), 0)
    onehot = (seg == batch_ref[0]).astype(jnp.bfloat16)
    x_bf = x_ref[...].astype(jnp.bfloat16)
    part_ref[...] += jnp.dot(onehot, x_bf,
                             preferred_element_type=jnp.float32)


def _tc_segsum(x, batch3d):
    return pl.pallas_call(
        _tc_segsum_body,
        grid=(TC_NBLK,),
        in_specs=[
            pl.BlockSpec((1, 1, TC_BLK), lambda i: (i + TC_OFF, 0, 0)),
            pl.BlockSpec((TC_BLK, D_FEAT), lambda i: (i + TC_OFF, 0)),
        ],
        out_specs=pl.BlockSpec((N_GRAPHS, D_FEAT), lambda i: (0, 0)),
        out_shape=jax.ShapeDtypeStruct((N_GRAPHS, D_FEAT), jnp.float32),
        cost_estimate=pl.CostEstimate(
            flops=2 * N_GRAPHS * (N_NODES - SC_ROWS) * D_FEAT,
            bytes_accessed=(N_NODES - SC_ROWS) * D_FEAT * 4,
            transcendentals=0,
        ),
    )(batch3d, x)



def _mlp_body(scp_ref, tcp_ref, w1_ref, b1_ref, w2_ref, b2_ref, out_ref):
    pooled = scp_ref[0] + scp_ref[1] + tcp_ref[...]
    h = lax.dot_general(pooled, w1_ref[...], (((1,), (1,)), ((), ())),
                        preferred_element_type=jnp.float32)
    h = jnp.maximum(h + b1_ref[...], 0.0)
    o = lax.dot_general(h, w2_ref[...], (((1,), (1,)), ((), ())),
                        preferred_element_type=jnp.float32)
    out_ref[...] = o + b2_ref[...]


def _mlp(sc_part, tc_part, W1, b1, W2, b2):
    return pl.pallas_call(
        _mlp_body,
        out_shape=jax.ShapeDtypeStruct((N_GRAPHS, D_TARGET), jnp.float32),
    )(sc_part, tc_part, W1, b1.reshape(1, HIDDEN), W2, b2.reshape(1, D_TARGET))


def kernel(x, edge_index, batch, W1, b1, W2, b2):
    del edge_index
    batch = batch.astype(jnp.int32)
    ids2d = batch[:SC_ROWS].reshape(NW * NCHUNK, CHUNK)
    batch3d = batch.reshape(N_NODES // TC_BLK, 1, TC_BLK)
    zeros = jnp.zeros((N_GRAPHS, D_FEAT), jnp.float32)
    tc_part = _tc_segsum(x, batch3d)
    sc_part = _sc_segsum(x, ids2d, zeros)
    return _mlp(sc_part, tc_part, W1, b1, W2, b2)

# --- scband reference (transcript-rebuilt; emitter-appended) ---
"""Pipeline reference for scband-mlpgraph-predictor-20598663152036 (READ-ONLY COPY).

The authoritative reference and input builder live on the scoring server;
editing this copy changes nothing except your own understanding.
"""

import jax, jax.numpy as jnp
import numpy as np

N_NODES = 100000
N_EDGES = 625000
D_FEAT = 128
HIDDEN = 256
D_TARGET = 64
N_GRAPHS = 512


def setup_inputs(seed: int = 0) -> dict:
    key = jax.random.key(seed)
    k_x, k_e, k_b, k_w1, k_b1, k_w2, k_b2 = jax.random.split(key, 7)
    x = jax.random.normal(k_x, (N_NODES, D_FEAT), dtype=jnp.float32)
    edge_index = jax.random.randint(k_e, (2, N_EDGES), 0, N_NODES, dtype=jnp.int64)
    batch = jnp.sort(jax.random.randint(k_b, (N_NODES,), 0, N_GRAPHS, dtype=jnp.int64))
    # nn.Linear params (PyTorch layout: W [out, in], y = x @ W.T + b)
    lim1 = 1.0 / np.sqrt(D_FEAT)
    W1 = jax.random.uniform(k_w1, (HIDDEN, D_FEAT), minval=-lim1, maxval=lim1, dtype=jnp.float32)
    b1 = jax.random.uniform(k_b1, (HIDDEN,), minval=-lim1, maxval=lim1, dtype=jnp.float32)
    lim2 = 1.0 / np.sqrt(HIDDEN)
    W2 = jax.random.uniform(k_w2, (D_TARGET, HIDDEN), minval=-lim2, maxval=lim2, dtype=jnp.float32)
    b2 = jax.random.uniform(k_b2, (D_TARGET,), minval=-lim2, maxval=lim2, dtype=jnp.float32)
    return {"x": x, "edge_index": edge_index, "batch": batch, "W1": W1, "b1": b1, "W2": W2, "b2": b2}


def reference(x, edge_index, batch, W1, b1, W2, b2):
    # global_add_pool: segment-sum node features by graph id
    pooled = jax.ops.segment_sum(x, batch, num_segments=N_GRAPHS)
    h = jax.nn.relu(pooled @ W1.T + b1)
    out = h @ W2.T + b2
    return out

if __name__ == "__main__":
    import jax
    _d = setup_inputs()
    print(jax.jit(kernel)(*tuple(_d.values())))

</pallas_src>

<mosaic_0001>
#map = affine_map<(d0, d1) -> (0, 0)>
#map1 = affine_map<(d0, d1) -> (0, 0, 0)>
module attributes {stable_mosaic.version = 14 : i64} {
  func.func @_sc_segsum_body(%arg0: i32, %arg1: i32, %arg2: memref<100000x128xf32, #tpu.memory_space<hbm>>, %arg3: memref<480x125xi32, #tpu.memory_space<hbm>>, %arg4: memref<512x128xf32, #tpu.memory_space<hbm>>, %arg5: memref<2x512x128xf32, #tpu.memory_space<hbm>>, %arg6: memref<15x125xi32, #tpu.memory_space<vmem>>, %arg7: memref<125x128xf32, #tpu.memory_space<vmem>>, %arg8: memref<125x128xf32, #tpu.memory_space<vmem>>, %arg9: memref<125x128xf32, #tpu.memory_space<vmem>>, %arg10: memref<125x128xf32, #tpu.memory_space<vmem>>, %arg11: memref<125x128xf32, #tpu.memory_space<vmem>>, %arg12: memref<125x128xf32, #tpu.memory_space<vmem>>, %arg13: memref<512x128xf32, #tpu.memory_space<vmem_shared>>, %arg14: memref<!tpu.dma_semaphore, #tpu.memory_space<semaphore_mem>>, %arg15: memref<!tpu.dma_semaphore, #tpu.memory_space<semaphore_mem>>, %arg16: memref<!tpu.dma_semaphore, #tpu.memory_space<semaphore_mem>>, %arg17: memref<!tpu.dma_semaphore, #tpu.memory_space<semaphore_mem>>, %arg18: memref<!tpu.dma_semaphore, #tpu.memory_space<semaphore_mem>>, %arg19: memref<!tpu.dma_semaphore, #tpu.memory_space<semaphore_mem>>, %arg20: memref<!tpu.dma_semaphore, #tpu.memory_space<semaphore_mem>>, %arg21: memref<!tpu.dma_semaphore, #tpu.memory_space<semaphore_mem>>, %arg22: memref<!tpu.dma_semaphore, #tpu.memory_space<semaphore_mem>>, %arg23: memref<!tpu.dma_semaphore, #tpu.memory_space<semaphore_mem>>, %arg24: memref<!tpu.dma_semaphore, #tpu.memory_space<semaphore_mem>>, %arg25: memref<!tpu.dma_semaphore, #tpu.memory_space<semaphore_mem>>) attributes {dimension_semantics = [#tpu.dimension_semantics<core_parallel>, #tpu.dimension_semantics<subcore_parallel>], iteration_bounds = array<i64: 2, 16>, scalar_prefetch = 0 : i64, scratch_operands = 20 : i64, tpu.core_type = #tpu.core_type<sc_vector_subcore>, window_params = [{transform_indices = #map}, {transform_indices = #map}, {transform_indices = #map}, {transform_indices = #map1}]} {
    %mul3A = arith.constant 2 : i32
    %mul3A_0 = arith.muli %arg1, %mul3A : i32
    %add3A = arith.addi %mul3A_0, %arg0 : i32
    %mul3A_1 = arith.constant 1875 : i32
    %mul3A_2 = arith.muli %add3A, %mul3A_1 : i32
    %eq3A = arith.constant 0 : i32
    %eq3A_3 = arith.cmpi eq, %arg1, %eq3A : i32
    %convert_element_type3A = arith.extui %eq3A_3 : i1 to i32
    %cond3A = arith.constant 0 : i32
    %cond3A_4 = arith.cmpi ne, %convert_element_type3A, %cond3A : i32
    scf.if %cond3A_4 {
      "tpu.region"() ({
        %run_scoped3A = tpu.sem_alloc : memref<!tpu.dma_semaphore, #tpu.memory_space<semaphore_mem>>
        tpu.enqueue_dma source(%arg4 : memref<512x128xf32, #tpu.memory_space<hbm>>) target(%arg13 : memref<512x128xf32, #tpu.memory_space<vmem_shared>>) target_semaphore(%run_scoped3A : memref<!tpu.dma_semaphore, #tpu.memory_space<semaphore_mem>>)
        tpu.wait_dma2 semaphore(%run_scoped3A : memref<!tpu.dma_semaphore, #tpu.memory_space<semaphore_mem>>) src(%arg4 : memref<512x128xf32, #tpu.memory_space<hbm>>) dst(%arg13 : memref<512x128xf32, #tpu.memory_space<vmem_shared>>)
        tpu.yield
      }) : () -> ()
    } else {
    }
    %mul3A_5 = arith.constant 15 : i32
    %mul3A_6 = arith.muli %add3A, %mul3A_5 : i32
    "tpu.region"() ({
      %run_scoped3A = tpu.sem_alloc : memref<!tpu.dma_semaphore, #tpu.memory_space<semaphore_mem>>
      %dma_start3A_371 = arith.constant 0 : i32
      %dma_start3A_372 = tpu.memref_slice %arg3[%mul3A_6, %dma_start3A_371] : memref<480x125xi32, #tpu.memory_space<hbm>> -> memref<15x125xi32, #tpu.memory_space<hbm>>
      %dma_start3A_373 = arith.constant 0 : i32
      %dma_start3A_374 = tpu.memref_slice %arg3[%mul3A_6, %dma_start3A_373] : memref<480x125xi32, #tpu.memory_space<hbm>> -> memref<15x125xi32, #tpu.memory_space<hbm>>
      tpu.enqueue_dma source(%dma_start3A_374 : memref<15x125xi32, #tpu.memory_space<hbm>>) target(%arg6 : memref<15x125xi32, #tpu.memory_space<vmem>>) target_semaphore(%run_scoped3A : memref<!tpu.dma_semaphore, #tpu.memory_space<semaphore_mem>>)
      %dma_wait3A_375 = arith.constant 0 : i32
      %dma_wait3A_376 = tpu.memref_slice %arg3[%mul3A_6, %dma_wait3A_375] : memref<480x125xi32, #tpu.memory_space<hbm>> -> memref<15x125xi32, #tpu.memory_space<hbm>>
      %dma_wait3A_377 = arith.constant 0 : i32
      %dma_wait3A_378 = tpu.memref_slice %arg3[%mul3A_6, %dma_wait3A_377] : memref<480x125xi32, #tpu.memory_space<hbm>> -> memref<15x125xi32, #tpu.memory_space<hbm>>
      tpu.wait_dma2 semaphore(%run_scoped3A : memref<!tpu.dma_semaphore, #tpu.memory_space<semaphore_mem>>) src(%dma_wait3A_378 : memref<15x125xi32, #tpu.memory_space<hbm>>) dst(%arg6 : memref<15x125xi32, #tpu.memory_space<vmem>>)
      tpu.yield
    }) : () -> ()
    %add3A_7 = arith.constant 0 : i32
    %add3A_8 = arith.addi %mul3A_2, %add3A_7 : i32
    %dma_start3A = arith.constant 0 : i32
    %dma_start3A_9 = tpu.memref_slice %arg2[%add3A_8, %dma_start3A] : memref<100000x128xf32, #tpu.memory_space<hbm>> -> memref<125x128xf32, #tpu.memory_space<hbm>>
    %dma_start3A_10 = arith.constant 0 : i32
    %dma_start3A_11 = tpu.memref_slice %arg2[%add3A_8, %dma_start3A_10] : memref<100000x128xf32, #tpu.memory_space<hbm>> -> memref<125x128xf32, #tpu.memory_space<hbm>>
    tpu.enqueue_dma source(%dma_start3A_11 : memref<125x128xf32, #tpu.memory_space<hbm>>) target(%arg7 : memref<125x128xf32, #tpu.memory_space<vmem>>) target_semaphore(%arg14 : memref<!tpu.dma_semaphore, #tpu.memory_space<semaphore_mem>>)
    %add3A_12 = arith.constant 125 : i32
    %add3A_13 = arith.addi %mul3A_2, %add3A_12 : i32
    %dma_start3A_14 = arith.constant 0 : i32
    %dma_start3A_15 = tpu.memref_slice %arg2[%add3A_13, %dma_start3A_14] : memref<100000x128xf32, #tpu.memory_space<hbm>> -> memref<125x128xf32, #tpu.memory_space<hbm>>
    %dma_start3A_16 = arith.constant 0 : i32
    %dma_start3A_17 = tpu.memref_slice %arg2[%add3A_13, %dma_start3A_16] : memref<100000x128xf32, #tpu.memory_space<hbm>> -> memref<125x128xf32, #tpu.memory_space<hbm>>
    tpu.enqueue_dma source(%dma_start3A_17 : memref<125x128xf32, #tpu.memory_space<hbm>>) target(%arg8 : memref<125x128xf32, #tpu.memory_space<vmem>>) target_semaphore(%arg15 : memref<!tpu.dma_semaphore, #tpu.memory_space<semaphore_mem>>)
    %add3A_18 = arith.constant 250 : i32
    %add3A_19 = arith.addi %mul3A_2, %add3A_18 : i32
    %dma_start3A_20 = arith.constant 0 : i32
    %dma_start3A_21 = tpu.memref_slice %arg2[%add3A_19, %dma_start3A_20] : memref<100000x128xf32, #tpu.memory_space<hbm>> -> memref<125x128xf32, #tpu.memory_space<hbm>>
    %dma_start3A_22 = arith.constant 0 : i32
    %dma_start3A_23 = tpu.memref_slice %arg2[%add3A_19, %dma_start3A_22] : memref<100000x128xf32, #tpu.memory_space<hbm>> -> memref<125x128xf32, #tpu.memory_space<hbm>>
    tpu.enqueue_dma source(%dma_start3A_23 : memref<125x128xf32, #tpu.memory_space<hbm>>) target(%arg9 : memref<125x128xf32, #tpu.memory_space<vmem>>) target_semaphore(%arg16 : memref<!tpu.dma_semaphore, #tpu.memory_space<semaphore_mem>>)
    %add3A_24 = arith.constant 375 : i32
    %add3A_25 = arith.addi %mul3A_2, %add3A_24 : i32
    %dma_start3A_26 = arith.constant 0 : i32
    %dma_start3A_27 = tpu.memref_slice %arg2[%add3A_25, %dma_start3A_26] : memref<100000x128xf32, #tpu.memory_space<hbm>> -> memref<125x128xf32, #tpu.memory_space<hbm>>
    %dma_start3A_28 = arith.constant 0 : i32
    %dma_start3A_29 = tpu.memref_slice %arg2[%add3A_25, %dma_start3A_28] : memref<100000x128xf32, #tpu.memory_space<hbm>> -> memref<125x128xf32, #tpu.memory_space<hbm>>
    tpu.enqueue_dma source(%dma_start3A_29 : memref<125x128xf32, #tpu.memory_space<hbm>>) target(%arg10 : memref<125x128xf32, #tpu.memory_space<vmem>>) target_semaphore(%arg17 : memref<!tpu.dma_semaphore, #tpu.memory_space<semaphore_mem>>)
    %add3A_30 = arith.constant 500 : i32
    %add3A_31 = arith.addi %mul3A_2, %add3A_30 : i32
    %dma_start3A_32 = arith.constant 0 : i32
    %dma_start3A_33 = tpu.memref_slice %arg2[%add3A_31, %dma_start3A_32] : memref<100000x128xf32, #tpu.memory_space<hbm>> -> memref<125x128xf32, #tpu.memory_space<hbm>>
    %dma_start3A_34 = arith.constant 0 : i32
    %dma_start3A_35 = tpu.memref_slice %arg2[%add3A_31, %dma_start3A_34] : memref<100000x128xf32, #tpu.memory_space<hbm>> -> memref<125x128xf32, #tpu.memory_space<hbm>>
    tpu.enqueue_dma source(%dma_start3A_35 : memref<125x128xf32, #tpu.memory_space<hbm>>) target(%arg11 : memref<125x128xf32, #tpu.memory_space<vmem>>) target_semaphore(%arg18 : memref<!tpu.dma_semaphore, #tpu.memory_space<semaphore_mem>>)
    %add3A_36 = arith.constant 625 : i32
    %add3A_37 = arith.addi %mul3A_2, %add3A_36 : i32
    %dma_start3A_38 = arith.constant 0 : i32
    %dma_start3A_39 = tpu.memref_slice %arg2[%add3A_37, %dma_start3A_38] : memref<100000x128xf32, #tpu.memory_space<hbm>> -> memref<125x128xf32, #tpu.memory_space<hbm>>
    %dma_start3A_40 = arith.constant 0 : i32
    %dma_start3A_41 = tpu.memref_slice %arg2[%add3A_37, %dma_start3A_40] : memref<100000x128xf32, #tpu.memory_space<hbm>> -> memref<125x128xf32, #tpu.memory_space<hbm>>
    tpu.enqueue_dma source(%dma_start3A_41 : memref<125x128xf32, #tpu.memory_space<hbm>>) target(%arg12 : memref<125x128xf32, #tpu.memory_space<vmem>>) target_semaphore(%arg19 : memref<!tpu.dma_semaphore, #tpu.memory_space<semaphore_mem>>)
    %barrier3A = arith.constant 0 : index
    tpu.barrier barrier_id(%barrier3A)
    %dma_wait3A = arith.constant 0 : i32
    %dma_wait3A_42 = tpu.memref_slice %arg2[%add3A_8, %dma_wait3A] : memref<100000x128xf32, #tpu.memory_space<hbm>> -> memref<125x128xf32, #tpu.memory_space<hbm>>
    %dma_wait3A_43 = arith.constant 0 : i32
    %dma_wait3A_44 = tpu.memref_slice %arg2[%add3A_8, %dma_wait3A_43] : memref<100000x128xf32, #tpu.memory_space<hbm>> -> memref<125x128xf32, #tpu.memory_space<hbm>>
    tpu.wait_dma2 semaphore(%arg14 : memref<!tpu.dma_semaphore, #tpu.memory_space<semaphore_mem>>) src(%dma_wait3A_44 : memref<125x128xf32, #tpu.memory_space<hbm>>) dst(%arg7 : memref<125x128xf32, #tpu.memory_space<vmem>>)
    %dma_start3A_45 = arith.constant 0 : i32
    %dma_start3A_46 = arith.constant 0 : i32
    %dma_start3A_47 = tpu.memref_slice %arg6[%dma_start3A_45, %dma_start3A_46] : memref<15x125xi32, #tpu.memory_space<vmem>> -> memref<1x125xi32, #tpu.memory_space<vmem>>
    %dma_start3A_48 = tpu.memref_squeeze %dma_start3A_47 : memref<1x125xi32, #tpu.memory_space<vmem>> -> memref<125xi32, #tpu.memory_space<vmem>>
    %dma_start3A_49 = arith.constant 0 : i32
    %dma_start3A_50 = arith.constant 0 : i32
    %dma_start3A_51 = tpu.memref_slice %arg13[%dma_start3A_49, %dma_start3A_50] : memref<512x128xf32, #tpu.memory_space<vmem_shared>> -> memref<512x128xf32, #tpu.memory_space<vmem_shared>>
    tpu.enqueue_indirect_dma source(%arg7 : memref<125x128xf32, #tpu.memory_space<vmem>>) target(%dma_start3A_51 : memref<512x128xf32, #tpu.memory_space<vmem_shared>>) offsets(%dma_start3A_48 : memref<125xi32, #tpu.memory_space<vmem>>) semaphore(%arg20 : memref<!tpu.dma_semaphore, #tpu.memory_space<semaphore_mem>>) {add = true}
    %dma_wait3A_52 = arith.constant 0 : i32
    %dma_wait3A_53 = tpu.memref_slice %arg2[%add3A_13, %dma_wait3A_52] : memref<100000x128xf32, #tpu.memory_space<hbm>> -> memref<125x128xf32, #tpu.memory_space<hbm>>
    %dma_wait3A_54 = arith.constant 0 : i32
    %dma_wait3A_55 = tpu.memref_slice %arg2[%add3A_13, %dma_wait3A_54] : memref<100000x128xf32, #tpu.memory_space<hbm>> -> memref<125x128xf32, #tpu.memory_space<hbm>>
    tpu.wait_dma2 semaphore(%arg15 : memref<!tpu.dma_semaphore, #tpu.memory_space<semaphore_mem>>) src(%dma_wait3A_55 : memref<125x128xf32, #tpu.memory_space<hbm>>) dst(%arg8 : memref<125x128xf32, #tpu.memory_space<vmem>>)
    %dma_start3A_56 = arith.constant 1 : i32
    %dma_start3A_57 = arith.constant 0 : i32
    %dma_start3A_58 = tpu.memref_slice %arg6[%dma_start3A_56, %dma_start3A_57] : memref<15x125xi32, #tpu.memory_space<vmem>> -> memref<1x125xi32, #tpu.memory_space<vmem>>
    %dma_start3A_59 = tpu.memref_squeeze %dma_start3A_58 : memref<1x125xi32, #tpu.memory_space<vmem>> -> memref<125xi32, #tpu.memory_space<vmem>>
    %dma_start3A_60 = arith.constant 0 : i32
    %dma_start3A_61 = arith.constant 0 : i32
    %dma_start3A_62 = tpu.memref_slice %arg13[%dma_start3A_60, %dma_start3A_61] : memref<512x128xf32, #tpu.memory_space<vmem_shared>> -> memref<512x128xf32, #tpu.memory_space<vmem_shared>>
    tpu.enqueue_indirect_dma source(%arg8 : memref<125x128xf32, #tpu.memory_space<vmem>>) target(%dma_start3A_62 : memref<512x128xf32, #tpu.memory_space<vmem_shared>>) offsets(%dma_start3A_59 : memref<125xi32, #tpu.memory_space<vmem>>) semaphore(%arg21 : memref<!tpu.dma_semaphore, #tpu.memory_space<semaphore_mem>>) {add = true}
    %dma_wait3A_63 = arith.constant 0 : i32
    %dma_wait3A_64 = tpu.memref_slice %arg2[%add3A_19, %dma_wait3A_63] : memref<100000x128xf32, #tpu.memory_space<hbm>> -> memref<125x128xf32, #tpu.memory_space<hbm>>
    %dma_wait3A_65 = arith.constant 0 : i32
    %dma_wait3A_66 = tpu.memref_slice %arg2[%add3A_19, %dma_wait3A_65] : memref<100000x128xf32, #tpu.memory_space<hbm>> -> memref<125x128xf32, #tpu.memory_space<hbm>>
    tpu.wait_dma2 semaphore(%arg16 : memref<!tpu.dma_semaphore, #tpu.memory_space<semaphore_mem>>) src(%dma_wait3A_66 : memref<125x128xf32, #tpu.memory_space<hbm>>) dst(%arg9 : memref<125x128xf32, #tpu.memory_space<vmem>>)
    %dma_start3A_67 = arith.constant 2 : i32
    %dma_start3A_68 = arith.constant 0 : i32
    %dma_start3A_69 = tpu.memref_slice %arg6[%dma_start3A_67, %dma_start3A_68] : memref<15x125xi32, #tpu.memory_space<vmem>> -> memref<1x125xi32, #tpu.memory_space<vmem>>
    %dma_start3A_70 = tpu.memref_squeeze %dma_start3A_69 : memref<1x125xi32, #tpu.memory_space<vmem>> -> memref<125xi32, #tpu.memory_space<vmem>>
    %dma_start3A_71 = arith.constant 0 : i32
    %dma_start3A_72 = arith.constant 0 : i32
    %dma_start3A_73 = tpu.memref_slice %arg13[%dma_start3A_71, %dma_start3A_72] : memref<512x128xf32, #tpu.memory_space<vmem_shared>> -> memref<512x128xf32, #tpu.memory_space<vmem_shared>>
    tpu.enqueue_indirect_dma source(%arg9 : memref<125x128xf32, #tpu.memory_space<vmem>>) target(%dma_start3A_73 : memref<512x128xf32, #tpu.memory_space<vmem_shared>>) offsets(%dma_start3A_70 : memref<125xi32, #tpu.memory_space<vmem>>) semaphore(%arg22 : memref<!tpu.dma_semaphore, #tpu.memory_space<semaphore_mem>>) {add = true}
    %dma_wait3A_74 = arith.constant 0 : i32
    %dma_wait3A_75 = arith.constant 0 : i32
    %dma_wait3A_76 = tpu.memref_slice %arg6[%dma_wait3A_74, %dma_wait3A_75] : memref<15x125xi32, #tpu.memory_space<vmem>> -> memref<1x125xi32, #tpu.memory_space<vmem>>
    %dma_wait3A_77 = tpu.memref_squeeze %dma_wait3A_76 : memref<1x125xi32, #tpu.memory_space<vmem>> -> memref<125xi32, #tpu.memory_space<vmem>>
    %dma_wait3A_78 = arith.constant 0 : i32
    %dma_wait3A_79 = arith.constant 0 : i32
    %dma_wait3A_80 = tpu.memref_slice %arg13[%dma_wait3A_78, %dma_wait3A_79] : memref<512x128xf32, #tpu.memory_space<vmem_shared>> -> memref<512x128xf32, #tpu.memory_space<vmem_shared>>
    tpu.wait_indirect_dma semaphore(%arg20 : memref<!tpu.dma_semaphore, #tpu.memory_space<semaphore_mem>>) src(%arg7 : memref<125x128xf32, #tpu.memory_space<vmem>>) dst(%dma_wait3A_80 : memref<512x128xf32, #tpu.memory_space<vmem_shared>>)
    %add3A_81 = arith.constant 750 : i32
    %add3A_82 = arith.addi %mul3A_2, %add3A_81 : i32
    %dma_start3A_83 = arith.constant 0 : i32
    %dma_start3A_84 = tpu.memref_slice %arg2[%add3A_82, %dma_start3A_83] : memref<100000x128xf32, #tpu.memory_space<hbm>> -> memref<125x128xf32, #tpu.memory_space<hbm>>
    %dma_start3A_85 = arith.constant 0 : i32
    %dma_start3A_86 = tpu.memref_slice %arg2[%add3A_82, %dma_start3A_85] : memref<100000x128xf32, #tpu.memory_space<hbm>> -> memref<125x128xf32, #tpu.memory_space<hbm>>
    tpu.enqueue_dma source(%dma_start3A_86 : memref<125x128xf32, #tpu.memory_space<hbm>>) target(%arg7 : memref<125x128xf32, #tpu.memory_space<vmem>>) target_semaphore(%arg14 : memref<!tpu.dma_semaphore, #tpu.memory_space<semaphore_mem>>)
    %dma_wait3A_87 = arith.constant 0 : i32
    %dma_wait3A_88 = tpu.memref_slice %arg2[%add3A_25, %dma_wait3A_87] : memref<100000x128xf32, #tpu.memory_space<hbm>> -> memref<125x128xf32, #tpu.memory_space<hbm>>
    %dma_wait3A_89 = arith.constant 0 : i32
    %dma_wait3A_90 = tpu.memref_slice %arg2[%add3A_25, %dma_wait3A_89] : memref<100000x128xf32, #tpu.memory_space<hbm>> -> memref<125x128xf32, #tpu.memory_space<hbm>>
    tpu.wait_dma2 semaphore(%arg17 : memref<!tpu.dma_semaphore, #tpu.memory_space<semaphore_mem>>) src(%dma_wait3A_90 : memref<125x128xf32, #tpu.memory_space<hbm>>) dst(%arg10 : memref<125x128xf32, #tpu.memory_space<vmem>>)
    %dma_start3A_91 = arith.constant 3 : i32
    %dma_start3A_92 = arith.constant 0 : i32
    %dma_start3A_93 = tpu.memref_slice %arg6[%dma_start3A_91, %dma_start3A_92] : memref<15x125xi32, #tpu.memory_space<vmem>> -> memref<1x125xi32, #tpu.memory_space<vmem>>
    %dma_start3A_94 = tpu.memref_squeeze %dma_start3A_93 : memref<1x125xi32, #tpu.memory_space<vmem>> -> memref<125xi32, #tpu.memory_space<vmem>>
    %dma_start3A_95 = arith.constant 0 : i32
    %dma_start3A_96 = arith.constant 0 : i32
    %dma_start3A_97 = tpu.memref_slice %arg13[%dma_start3A_95, %dma_start3A_96] : memref<512x128xf32, #tpu.memory_space<vmem_shared>> -> memref<512x128xf32, #tpu.memory_space<vmem_shared>>
    tpu.enqueue_indirect_dma source(%arg10 : memref<125x128xf32, #tpu.memory_space<vmem>>) target(%dma_start3A_97 : memref<512x128xf32, #tpu.memory_space<vmem_shared>>) offsets(%dma_start3A_94 : memref<125xi32, #tpu.memory_space<vmem>>) semaphore(%arg23 : memref<!tpu.dma_semaphore, #tpu.memory_space<semaphore_mem>>) {add = true}
    %dma_wait3A_98 = arith.constant 1 : i32
    %dma_wait3A_99 = arith.constant 0 : i32
    %dma_wait3A_100 = tpu.memref_slice %arg6[%dma_wait3A_98, %dma_wait3A_99] : memref<15x125xi32, #tpu.memory_space<vmem>> -> memref<1x125xi32, #tpu.memory_space<vmem>>
    %dma_wait3A_101 = tpu.memref_squeeze %dma_wait3A_100 : memref<1x125xi32, #tpu.memory_space<vmem>> -> memref<125xi32, #tpu.memory_space<vmem>>
    %dma_wait3A_102 = arith.constant 0 : i32
    %dma_wait3A_103 = arith.constant 0 : i32
    %dma_wait3A_104 = tpu.memref_slice %arg13[%dma_wait3A_102, %dma_wait3A_103] : memref<512x128xf32, #tpu.memory_space<vmem_shared>> -> memref<512x128xf32, #tpu.memory_space<vmem_shared>>
    tpu.wait_indirect_dma semaphore(%arg21 : memref<!tpu.dma_semaphore, #tpu.memory_space<semaphore_mem>>) src(%arg8 : memref<125x128xf32, #tpu.memory_space<vmem>>) dst(%dma_wait3A_104 : memref<512x128xf32, #tpu.memory_space<vmem_shared>>)
    %add3A_105 = arith.constant 875 : i32
    %add3A_106 = arith.addi %mul3A_2, %add3A_105 : i32
    %dma_start3A_107 = arith.constant 0 : i32
    %dma_start3A_108 = tpu.memref_slice %arg2[%add3A_106, %dma_start3A_107] : memref<100000x128xf32, #tpu.memory_space<hbm>> -> memref<125x128xf32, #tpu.memory_space<hbm>>
    %dma_start3A_109 = arith.constant 0 : i32
    %dma_start3A_110 = tpu.memref_slice %arg2[%add3A_106, %dma_start3A_109] : memref<100000x128xf32, #tpu.memory_space<hbm>> -> memref<125x128xf32, #tpu.memory_space<hbm>>
    tpu.enqueue_dma source(%dma_start3A_110 : memref<125x128xf32, #tpu.memory_space<hbm>>) target(%arg8 : memref<125x128xf32, #tpu.memory_space<vmem>>) target_semaphore(%arg15 : memref<!tpu.dma_semaphore, #tpu.memory_space<semaphore_mem>>)
    %dma_wait3A_111 = arith.constant 0 : i32
    %dma_wait3A_112 = tpu.memref_slice %arg2[%add3A_31, %dma_wait3A_111] : memref<100000x128xf32, #tpu.memory_space<hbm>> -> memref<125x128xf32, #tpu.memory_space<hbm>>
    %dma_wait3A_113 = arith.constant 0 : i32
    %dma_wait3A_114 = tpu.memref_slice %arg2[%add3A_31, %dma_wait3A_113] : memref<100000x128xf32, #tpu.memory_space<hbm>> -> memref<125x128xf32, #tpu.memory_space<hbm>>
    tpu.wait_dma2 semaphore(%arg18 : memref<!tpu.dma_semaphore, #tpu.memory_space<semaphore_mem>>) src(%dma_wait3A_114 : memref<125x128xf32, #tpu.memory_space<hbm>>) dst(%arg11 : memref<125x128xf32, #tpu.memory_space<vmem>>)
    %dma_start3A_115 = arith.constant 4 : i32
    %dma_start3A_116 = arith.constant 0 : i32
    %dma_start3A_117 = tpu.memref_slice %arg6[%dma_start3A_115, %dma_start3A_116] : memref<15x125xi32, #tpu.memory_space<vmem>> -> memref<1x125xi32, #tpu.memory_space<vmem>>
    %dma_start3A_118 = tpu.memref_squeeze %dma_start3A_117 : memref<1x125xi32, #tpu.memory_space<vmem>> -> memref<125xi32, #tpu.memory_space<vmem>>
    %dma_start3A_119 = arith.constant 0 : i32
    %dma_start3A_120 = arith.constant 0 : i32
    %dma_start3A_121 = tpu.memref_slice %arg13[%dma_start3A_119, %dma_start3A_120] : memref<512x128xf32, #tpu.memory_space<vmem_shared>> -> memref<512x128xf32, #tpu.memory_space<vmem_shared>>
    tpu.enqueue_indirect_dma source(%arg11 : memref<125x128xf32, #tpu.memory_space<vmem>>) target(%dma_start3A_121 : memref<512x128xf32, #tpu.memory_space<vmem_shared>>) offsets(%dma_start3A_118 : memref<125xi32, #tpu.memory_space<vmem>>) semaphore(%arg24 : memref<!tpu.dma_semaphore, #tpu.memory_space<semaphore_mem>>) {add = true}
    %dma_wait3A_122 = arith.constant 2 : i32
    %dma_wait3A_123 = arith.constant 0 : i32
    %dma_wait3A_124 = tpu.memref_slice %arg6[%dma_wait3A_122, %dma_wait3A_123] : memref<15x125xi32, #tpu.memory_space<vmem>> -> memref<1x125xi32, #tpu.memory_space<vmem>>
    %dma_wait3A_125 = tpu.memref_squeeze %dma_wait3A_124 : memref<1x125xi32, #tpu.memory_space<vmem>> -> memref<125xi32, #tpu.memory_space<vmem>>
    %dma_wait3A_126 = arith.constant 0 : i32
    %dma_wait3A_127 = arith.constant 0 : i32
    %dma_wait3A_128 = tpu.memref_slice %arg13[%dma_wait3A_126, %dma_wait3A_127] : memref<512x128xf32, #tpu.memory_space<vmem_shared>> -> memref<512x128xf32, #tpu.memory_space<vmem_shared>>
    tpu.wait_indirect_dma semaphore(%arg22 : memref<!tpu.dma_semaphore, #tpu.memory_space<semaphore_mem>>) src(%arg9 : memref<125x128xf32, #tpu.memory_space<vmem>>) dst(%dma_wait3A_128 : memref<512x128xf32, #tpu.memory_space<vmem_shared>>)
    %add3A_129 = arith.constant 1000 : i32
    %add3A_130 = arith.addi %mul3A_2, %add3A_129 : i32
    %dma_start3A_131 = arith.constant 0 : i32
    %dma_start3A_132 = tpu.memref_slice %arg2[%add3A_130, %dma_start3A_131] : memref<100000x128xf32, #tpu.memory_space<hbm>> -> memref<125x128xf32, #tpu.memory_space<hbm>>
    %dma_start3A_133 = arith.constant 0 : i32
    %dma_start3A_134 = tpu.memref_slice %arg2[%add3A_130, %dma_start3A_133] : memref<100000x128xf32, #tpu.memory_space<hbm>> -> memref<125x128xf32, #tpu.memory_space<hbm>>
    tpu.enqueue_dma source(%dma_start3A_134 : memref<125x128xf32, #tpu.memory_space<hbm>>) target(%arg9 : memref<125x128xf32, #tpu.memory_space<vmem>>) target_semaphore(%arg16 : memref<!tpu.dma_semaphore, #tpu.memory_space<semaphore_mem>>)
    %dma_wait3A_135 = arith.constant 0 : i32
    %dma_wait3A_136 = tpu.memref_slice %arg2[%add3A_37, %dma_wait3A_135] : memref<100000x128xf32, #tpu.memory_space<hbm>> -> memref<125x128xf32, #tpu.memory_space<hbm>>
    %dma_wait3A_137 = arith.constant 0 : i32
    %dma_wait3A_138 = tpu.memref_slice %arg2[%add3A_37, %dma_wait3A_137] : memref<100000x128xf32, #tpu.memory_space<hbm>> -> memref<125x128xf32, #tpu.memory_space<hbm>>
    tpu.wait_dma2 semaphore(%arg19 : memref<!tpu.dma_semaphore, #tpu.memory_space<semaphore_mem>>) src(%dma_wait3A_138 : memref<125x128xf32, #tpu.memory_space<hbm>>) dst(%arg12 : memref<125x128xf32, #tpu.memory_space<vmem>>)
    %dma_start3A_139 = arith.constant 5 : i32
    %dma_start3A_140 = arith.constant 0 : i32
    %dma_start3A_141 = tpu.memref_slice %arg6[%dma_start3A_139, %dma_start3A_140] : memref<15x125xi32, #tpu.memory_space<vmem>> -> memref<1x125xi32, #tpu.memory_space<vmem>>
    %dma_start3A_142 = tpu.memref_squeeze %dma_start3A_141 : memref<1x125xi32, #tpu.memory_space<vmem>> -> memref<125xi32, #tpu.memory_space<vmem>>
    %dma_start3A_143 = arith.constant 0 : i32
    %dma_start3A_144 = arith.constant 0 : i32
    %dma_start3A_145 = tpu.memref_slice %arg13[%dma_start3A_143, %dma_start3A_144] : memref<512x128xf32, #tpu.memory_space<vmem_shared>> -> memref<512x128xf32, #tpu.memory_space<vmem_shared>>
    tpu.enqueue_indirect_dma source(%arg12 : memref<125x128xf32, #tpu.memory_space<vmem>>) target(%dma_start3A_145 : memref<512x128xf32, #tpu.memory_space<vmem_shared>>) offsets(%dma_start3A_142 : memref<125xi32, #tpu.memory_space<vmem>>) semaphore(%arg25 : memref<!tpu.dma_semaphore, #tpu.memory_space<semaphore_mem>>) {add = true}
    %dma_wait3A_146 = arith.constant 3 : i32
    %dma_wait3A_147 = arith.constant 0 : i32
    %dma_wait3A_148 = tpu.memref_slice %arg6[%dma_wait3A_146, %dma_wait3A_147] : memref<15x125xi32, #tpu.memory_space<vmem>> -> memref<1x125xi32, #tpu.memory_space<vmem>>
    %dma_wait3A_149 = tpu.memref_squeeze %dma_wait3A_148 : memref<1x125xi32, #tpu.memory_space<vmem>> -> memref<125xi32, #tpu.memory_space<vmem>>
    %dma_wait3A_150 = arith.constant 0 : i32
    %dma_wait3A_151 = arith.constant 0 : i32
    %dma_wait3A_152 = tpu.memref_slice %arg13[%dma_wait3A_150, %dma_wait3A_151] : memref<512x128xf32, #tpu.memory_space<vmem_shared>> -> memref<512x128xf32, #tpu.memory_space<vmem_shared>>
    tpu.wait_indirect_dma semaphore(%arg23 : memref<!tpu.dma_semaphore, #tpu.memory_space<semaphore_mem>>) src(%arg10 : memref<125x128xf32, #tpu.memory_space<vmem>>) dst(%dma_wait3A_152 : memref<512x128xf32, #tpu.memory_space<vmem_shared>>)
    %add3A_153 = arith.constant 1125 : i32
    %add3A_154 = arith.addi %mul3A_2, %add3A_153 : i32
    %dma_start3A_155 = arith.constant 0 : i32
    %dma_start3A_156 = tpu.memref_slice %arg2[%add3A_154, %dma_start3A_155] : memref<100000x128xf32, #tpu.memory_space<hbm>> -> memref<125x128xf32, #tpu.memory_space<hbm>>
    %dma_start3A_157 = arith.constant 0 : i32
    %dma_start3A_158 = tpu.memref_slice %arg2[%add3A_154, %dma_start3A_157] : memref<100000x128xf32, #tpu.memory_space<hbm>> -> memref<125x128xf32, #tpu.memory_space<hbm>>
    tpu.enqueue_dma source(%dma_start3A_158 : memref<125x128xf32, #tpu.memory_space<hbm>>) target(%arg10 : memref<125x128xf32, #tpu.memory_space<vmem>>) target_semaphore(%arg17 : memref<!tpu.dma_semaphore, #tpu.memory_space<semaphore_mem>>)
    %dma_wait3A_159 = arith.constant 0 : i32
    %dma_wait3A_160 = tpu.memref_slice %arg2[%add3A_82, %dma_wait3A_159] : memref<100000x128xf32, #tpu.memory_space<hbm>> -> memref<125x128xf32, #tpu.memory_space<hbm>>
    %dma_wait3A_161 = arith.constant 0 : i32
    %dma_wait3A_162 = tpu.memref_slice %arg2[%add3A_82, %dma_wait3A_161] : memref<100000x128xf32, #tpu.memory_space<hbm>> -> memref<125x128xf32, #tpu.memory_space<hbm>>
    tpu.wait_dma2 semaphore(%arg14 : memref<!tpu.dma_semaphore, #tpu.memory_space<semaphore_mem>>) src(%dma_wait3A_162 : memref<125x128xf32, #tpu.memory_space<hbm>>) dst(%arg7 : memref<125x128xf32, #tpu.memory_space<vmem>>)
    %dma_start3A_163 = arith.constant 6 : i32
    %dma_start3A_164 = arith.constant 0 : i32
    %dma_start3A_165 = tpu.memref_slice %arg6[%dma_start3A_163, %dma_start3A_164] : memref<15x125xi32, #tpu.memory_space<vmem>> -> memref<1x125xi32, #tpu.memory_space<vmem>>
    %dma_start3A_166 = tpu.memref_squeeze %dma_start3A_165 : memref<1x125xi32, #tpu.memory_space<vmem>> -> memref<125xi32, #tpu.memory_space<vmem>>
    %dma_start3A_167 = arith.constant 0 : i32
    %dma_start3A_168 = arith.constant 0 : i32
    %dma_start3A_169 = tpu.memref_slice %arg13[%dma_start3A_167, %dma_start3A_168] : memref<512x128xf32, #tpu.memory_space<vmem_shared>> -> memref<512x128xf32, #tpu.memory_space<vmem_shared>>
    tpu.enqueue_indirect_dma source(%arg7 : memref<125x128xf32, #tpu.memory_space<vmem>>) target(%dma_start3A_169 : memref<512x128xf32, #tpu.memory_space<vmem_shared>>) offsets(%dma_start3A_166 : memref<125xi32, #tpu.memory_space<vmem>>) semaphore(%arg20 : memref<!tpu.dma_semaphore, #tpu.memory_space<semaphore_mem>>) {add = true}
    %dma_wait3A_170 = arith.constant 4 : i32
    %dma_wait3A_171 = arith.constant 0 : i32
    %dma_wait3A_172 = tpu.memref_slice %arg6[%dma_wait3A_170, %dma_wait3A_171] : memref<15x125xi32, #tpu.memory_space<vmem>> -> memref<1x125xi32, #tpu.memory_space<vmem>>
    %dma_wait3A_173 = tpu.memref_squeeze %dma_wait3A_172 : memref<1x125xi32, #tpu.memory_space<vmem>> -> memref<125xi32, #tpu.memory_space<vmem>>
    %dma_wait3A_174 = arith.constant 0 : i32
    %dma_wait3A_175 = arith.constant 0 : i32
    %dma_wait3A_176 = tpu.memref_slice %arg13[%dma_wait3A_174, %dma_wait3A_175] : memref<512x128xf32, #tpu.memory_space<vmem_shared>> -> memref<512x128xf32, #tpu.memory_space<vmem_shared>>
    tpu.wait_indirect_dma semaphore(%arg24 : memref<!tpu.dma_semaphore, #tpu.memory_space<semaphore_mem>>) src(%arg11 : memref<125x128xf32, #tpu.memory_space<vmem>>) dst(%dma_wait3A_176 : memref<512x128xf32, #tpu.memory_space<vmem_shared>>)
    %add3A_177 = arith.constant 1250 : i32
    %add3A_178 = arith.addi %mul3A_2, %add3A_177 : i32
    %dma_start3A_179 = arith.constant 0 : i32
    %dma_start3A_180 = tpu.memref_slice %arg2[%add3A_178, %dma_start3A_179] : memref<100000x128xf32, #tpu.memory_space<hbm>> -> memref<125x128xf32, #tpu.memory_space<hbm>>
    %dma_start3A_181 = arith.constant 0 : i32
    %dma_start3A_182 = tpu.memref_slice %arg2[%add3A_178, %dma_start3A_181] : memref<100000x128xf32, #tpu.memory_space<hbm>> -> memref<125x128xf32, #tpu.memory_space<hbm>>
    tpu.enqueue_dma source(%dma_start3A_182 : memref<125x128xf32, #tpu.memory_space<hbm>>) target(%arg11 : memref<125x128xf32, #tpu.memory_space<vmem>>) target_semaphore(%arg18 : memref<!tpu.dma_semaphore, #tpu.memory_space<semaphore_mem>>)
    %dma_wait3A_183 = arith.constant 0 : i32
    %dma_wait3A_184 = tpu.memref_slice %arg2[%add3A_106, %dma_wait3A_183] : memref<100000x128xf32, #tpu.memory_space<hbm>> -> memref<125x128xf32, #tpu.memory_space<hbm>>
    %dma_wait3A_185 = arith.constant 0 : i32
    %dma_wait3A_186 = tpu.memref_slice %arg2[%add3A_106, %dma_wait3A_185] : memref<100000x128xf32, #tpu.memory_space<hbm>> -> memref<125x128xf32, #tpu.memory_space<hbm>>
    tpu.wait_dma2 semaphore(%arg15 : memref<!tpu.dma_semaphore, #tpu.memory_space<semaphore_mem>>) src(%dma_wait3A_186 : memref<125x128xf32, #tpu.memory_space<hbm>>) dst(%arg8 : memref<125x128xf32, #tpu.memory_space<vmem>>)
    %dma_start3A_187 = arith.constant 7 : i32
    %dma_start3A_188 = arith.constant 0 : i32
    %dma_start3A_189 = tpu.memref_slice %arg6[%dma_start3A_187, %dma_start3A_188] : memref<15x125xi32, #tpu.memory_space<vmem>> -> memref<1x125xi32, #tpu.memory_space<vmem>>
    %dma_start3A_190 = tpu.memref_squeeze %dma_start3A_189 : memref<1x125xi32, #tpu.memory_space<vmem>> -> memref<125xi32, #tpu.memory_space<vmem>>
    %dma_start3A_191 = arith.constant 0 : i32
    %dma_start3A_192 = arith.constant 0 : i32
    %dma_start3A_193 = tpu.memref_slice %arg13[%dma_start3A_191, %dma_start3A_192] : memref<512x128xf32, #tpu.memory_space<vmem_shared>> -> memref<512x128xf32, #tpu.memory_space<vmem_shared>>
    tpu.enqueue_indirect_dma source(%arg8 : memref<125x128xf32, #tpu.memory_space<vmem>>) target(%dma_start3A_193 : memref<512x128xf32, #tpu.memory_space<vmem_shared>>) offsets(%dma_start3A_190 : memref<125xi32, #tpu.memory_space<vmem>>) semaphore(%arg21 : memref<!tpu.dma_semaphore, #tpu.memory_space<semaphore_mem>>) {add = true}
    %dma_wait3A_194 = arith.constant 5 : i32
    %dma_wait3A_195 = arith.constant 0 : i32
    %dma_wait3A_196 = tpu.memref_slice %arg6[%dma_wait3A_194, %dma_wait3A_195] : memref<15x125xi32, #tpu.memory_space<vmem>> -> memref<1x125xi32, #tpu.memory_space<vmem>>
    %dma_wait3A_197 = tpu.memref_squeeze %dma_wait3A_196 : memref<1x125xi32, #tpu.memory_space<vmem>> -> memref<125xi32, #tpu.memory_space<vmem>>
    %dma_wait3A_198 = arith.constant 0 : i32
    %dma_wait3A_199 = arith.constant 0 : i32
    %dma_wait3A_200 = tpu.memref_slice %arg13[%dma_wait3A_198, %dma_wait3A_199] : memref<512x128xf32, #tpu.memory_space<vmem_shared>> -> memref<512x128xf32, #tpu.memory_space<vmem_shared>>
    tpu.wait_indirect_dma semaphore(%arg25 : memref<!tpu.dma_semaphore, #tpu.memory_space<semaphore_mem>>) src(%arg12 : memref<125x128xf32, #tpu.memory_space<vmem>>) dst(%dma_wait3A_200 : memref<512x128xf32, #tpu.memory_space<vmem_shared>>)
    %add3A_201 = arith.constant 1375 : i32
    %add3A_202 = arith.addi %mul3A_2, %add3A_201 : i32
    %dma_start3A_203 = arith.constant 0 : i32
    %dma_start3A_204 = tpu.memref_slice %arg2[%add3A_202, %dma_start3A_203] : memref<100000x128xf32, #tpu.memory_space<hbm>> -> memref<125x128xf32, #tpu.memory_space<hbm>>
    %dma_start3A_205 = arith.constant 0 : i32
    %dma_start3A_206 = tpu.memref_slice %arg2[%add3A_202, %dma_start3A_205] : memref<100000x128xf32, #tpu.memory_space<hbm>> -> memref<125x128xf32, #tpu.memory_space<hbm>>
    tpu.enqueue_dma source(%dma_start3A_206 : memref<125x128xf32, #tpu.memory_space<hbm>>) target(%arg12 : memref<125x128xf32, #tpu.memory_space<vmem>>) target_semaphore(%arg19 : memref<!tpu.dma_semaphore, #tpu.memory_space<semaphore_mem>>)
    %dma_wait3A_207 = arith.constant 0 : i32
    %dma_wait3A_208 = tpu.memref_slice %arg2[%add3A_130, %dma_wait3A_207] : memref<100000x128xf32, #tpu.memory_space<hbm>> -> memref<125x128xf32, #tpu.memory_space<hbm>>
    %dma_wait3A_209 = arith.constant 0 : i32
    %dma_wait3A_210 = tpu.memref_slice %arg2[%add3A_130, %dma_wait3A_209] : memref<100000x128xf32, #tpu.memory_space<hbm>> -> memref<125x128xf32, #tpu.memory_space<hbm>>
    tpu.wait_dma2 semaphore(%arg16 : memref<!tpu.dma_semaphore, #tpu.memory_space<semaphore_mem>>) src(%dma_wait3A_210 : memref<125x128xf32, #tpu.memory_space<hbm>>) dst(%arg9 : memref<125x128xf32, #tpu.memory_space<vmem>>)
    %dma_start3A_211 = arith.constant 8 : i32
    %dma_start3A_212 = arith.constant 0 : i32
    %dma_start3A_213 = tpu.memref_slice %arg6[%dma_start3A_211, %dma_start3A_212] : memref<15x125xi32, #tpu.memory_space<vmem>> -> memref<1x125xi32, #tpu.memory_space<vmem>>
    %dma_start3A_214 = tpu.memref_squeeze %dma_start3A_213 : memref<1x125xi32, #tpu.memory_space<vmem>> -> memref<125xi32, #tpu.memory_space<vmem>>
    %dma_start3A_215 = arith.constant 0 : i32
    %dma_start3A_216 = arith.constant 0 : i32
    %dma_start3A_217 = tpu.memref_slice %arg13[%dma_start3A_215, %dma_start3A_216] : memref<512x128xf32, #tpu.memory_space<vmem_shared>> -> memref<512x128xf32, #tpu.memory_space<vmem_shared>>
    tpu.enqueue_indirect_dma source(%arg9 : memref<125x128xf32, #tpu.memory_space<vmem>>) target(%dma_start3A_217 : memref<512x128xf32, #tpu.memory_space<vmem_shared>>) offsets(%dma_start3A_214 : memref<125xi32, #tpu.memory_space<vmem>>) semaphore(%arg22 : memref<!tpu.dma_semaphore, #tpu.memory_space<semaphore_mem>>) {add = true}
    %dma_wait3A_218 = arith.constant 6 : i32
    %dma_wait3A_219 = arith.constant 0 : i32
    %dma_wait3A_220 = tpu.memref_slice %arg6[%dma_wait3A_218, %dma_wait3A_219] : memref<15x125xi32, #tpu.memory_space<vmem>> -> memref<1x125xi32, #tpu.memory_space<vmem>>
    %dma_wait3A_221 = tpu.memref_squeeze %dma_wait3A_220 : memref<1x125xi32, #tpu.memory_space<vmem>> -> memref<125xi32, #tpu.memory_space<vmem>>
    %dma_wait3A_222 = arith.constant 0 : i32
    %dma_wait3A_223 = arith.constant 0 : i32
    %dma_wait3A_224 = tpu.memref_slice %arg13[%dma_wait3A_222, %dma_wait3A_223] : memref<512x128xf32, #tpu.memory_space<vmem_shared>> -> memref<512x128xf32, #tpu.memory_space<vmem_shared>>
    tpu.wait_indirect_dma semaphore(%arg20 : memref<!tpu.dma_semaphore, #tpu.memory_space<semaphore_mem>>) src(%arg7 : memref<125x128xf32, #tpu.memory_space<vmem>>) dst(%dma_wait3A_224 : memref<512x128xf32, #tpu.memory_space<vmem_shared>>)
    %add3A_225 = arith.constant 1500 : i32
    %add3A_226 = arith.addi %mul3A_2, %add3A_225 : i32
    %dma_start3A_227 = arith.constant 0 : i32
    %dma_start3A_228 = tpu.memref_slice %arg2[%add3A_226, %dma_start3A_227] : memref<100000x128xf32, #tpu.memory_space<hbm>> -> memref<125x128xf32, #tpu.memory_space<hbm>>
    %dma_start3A_229 = arith.constant 0 : i32
    %dma_start3A_230 = tpu.memref_slice %arg2[%add3A_226, %dma_start3A_229] : memref<100000x128xf32, #tpu.memory_space<hbm>> -> memref<125x128xf32, #tpu.memory_space<hbm>>
    tpu.enqueue_dma source(%dma_start3A_230 : memref<125x128xf32, #tpu.memory_space<hbm>>) target(%arg7 : memref<125x128xf32, #tpu.memory_space<vmem>>) target_semaphore(%arg14 : memref<!tpu.dma_semaphore, #tpu.memory_space<semaphore_mem>>)
    %dma_wait3A_231 = arith.constant 0 : i32
    %dma_wait3A_232 = tpu.memref_slice %arg2[%add3A_154, %dma_wait3A_231] : memref<100000x128xf32, #tpu.memory_space<hbm>> -> memref<125x128xf32, #tpu.memory_space<hbm>>
    %dma_wait3A_233 = arith.constant 0 : i32
    %dma_wait3A_234 = tpu.memref_slice %arg2[%add3A_154, %dma_wait3A_233] : memref<100000x128xf32, #tpu.memory_space<hbm>> -> memref<125x128xf32, #tpu.memory_space<hbm>>
    tpu.wait_dma2 semaphore(%arg17 : memref<!tpu.dma_semaphore, #tpu.memory_space<semaphore_mem>>) src(%dma_wait3A_234 : memref<125x128xf32, #tpu.memory_space<hbm>>) dst(%arg10 : memref<125x128xf32, #tpu.memory_space<vmem>>)
    %dma_start3A_235 = arith.constant 9 : i32
    %dma_start3A_236 = arith.constant 0 : i32
    %dma_start3A_237 = tpu.memref_slice %arg6[%dma_start3A_235, %dma_start3A_236] : memref<15x125xi32, #tpu.memory_space<vmem>> -> memref<1x125xi32, #tpu.memory_space<vmem>>
    %dma_start3A_238 = tpu.memref_squeeze %dma_start3A_237 : memref<1x125xi32, #tpu.memory_space<vmem>> -> memref<125xi32, #tpu.memory_space<vmem>>
    %dma_start3A_239 = arith.constant 0 : i32
    %dma_start3A_240 = arith.constant 0 : i32
    %dma_start3A_241 = tpu.memref_slice %arg13[%dma_start3A_239, %dma_start3A_240] : memref<512x128xf32, #tpu.memory_space<vmem_shared>> -> memref<512x128xf32, #tpu.memory_space<vmem_shared>>
    tpu.enqueue_indirect_dma source(%arg10 : memref<125x128xf32, #tpu.memory_space<vmem>>) target(%dma_start3A_241 : memref<512x128xf32, #tpu.memory_space<vmem_shared>>) offsets(%dma_start3A_238 : memref<125xi32, #tpu.memory_space<vmem>>) semaphore(%arg23 : memref<!tpu.dma_semaphore, #tpu.memory_space<semaphore_mem>>) {add = true}
    %dma_wait3A_242 = arith.constant 7 : i32
    %dma_wait3A_243 = arith.constant 0 : i32
    %dma_wait3A_244 = tpu.memref_slice %arg6[%dma_wait3A_242, %dma_wait3A_243] : memref<15x125xi32, #tpu.memory_space<vmem>> -> memref<1x125xi32, #tpu.memory_space<vmem>>
    %dma_wait3A_245 = tpu.memref_squeeze %dma_wait3A_244 : memref<1x125xi32, #tpu.memory_space<vmem>> -> memref<125xi32, #tpu.memory_space<vmem>>
    %dma_wait3A_246 = arith.constant 0 : i32
    %dma_wait3A_247 = arith.constant 0 : i32
    %dma_wait3A_248 = tpu.memref_slice %arg13[%dma_wait3A_246, %dma_wait3A_247] : memref<512x128xf32, #tpu.memory_space<vmem_shared>> -> memref<512x128xf32, #tpu.memory_space<vmem_shared>>
    tpu.wait_indirect_dma semaphore(%arg21 : memref<!tpu.dma_semaphore, #tpu.memory_space<semaphore_mem>>) src(%arg8 : memref<125x128xf32, #tpu.memory_space<vmem>>) dst(%dma_wait3A_248 : memref<512x128xf32, #tpu.memory_space<vmem_shared>>)
    %add3A_249 = arith.constant 1625 : i32
    %add3A_250 = arith.addi %mul3A_2, %add3A_249 : i32
    %dma_start3A_251 = arith.constant 0 : i32
    %dma_start3A_252 = tpu.memref_slice %arg2[%add3A_250, %dma_start3A_251] : memref<100000x128xf32, #tpu.memory_space<hbm>> -> memref<125x128xf32, #tpu.memory_space<hbm>>
    %dma_start3A_253 = arith.constant 0 : i32
    %dma_start3A_254 = tpu.memref_slice %arg2[%add3A_250, %dma_start3A_253] : memref<100000x128xf32, #tpu.memory_space<hbm>> -> memref<125x128xf32, #tpu.memory_space<hbm>>
    tpu.enqueue_dma source(%dma_start3A_254 : memref<125x128xf32, #tpu.memory_space<hbm>>) target(%arg8 : memref<125x128xf32, #tpu.memory_space<vmem>>) target_semaphore(%arg15 : memref<!tpu.dma_semaphore, #tpu.memory_space<semaphore_mem>>)
    %dma_wait3A_255 = arith.constant 0 : i32
    %dma_wait3A_256 = tpu.memref_slice %arg2[%add3A_178, %dma_wait3A_255] : memref<100000x128xf32, #tpu.memory_space<hbm>> -> memref<125x128xf32, #tpu.memory_space<hbm>>
    %dma_wait3A_257 = arith.constant 0 : i32
    %dma_wait3A_258 = tpu.memref_slice %arg2[%add3A_178, %dma_wait3A_257] : memref<100000x128xf32, #tpu.memory_space<hbm>> -> memref<125x128xf32, #tpu.memory_space<hbm>>
    tpu.wait_dma2 semaphore(%arg18 : memref<!tpu.dma_semaphore, #tpu.memory_space<semaphore_mem>>) src(%dma_wait3A_258 : memref<125x128xf32, #tpu.memory_space<hbm>>) dst(%arg11 : memref<125x128xf32, #tpu.memory_space<vmem>>)
    %dma_start3A_259 = arith.constant 10 : i32
    %dma_start3A_260 = arith.constant 0 : i32
    %dma_start3A_261 = tpu.memref_slice %arg6[%dma_start3A_259, %dma_start3A_260] : memref<15x125xi32, #tpu.memory_space<vmem>> -> memref<1x125xi32, #tpu.memory_space<vmem>>
    %dma_start3A_262 = tpu.memref_squeeze %dma_start3A_261 : memref<1x125xi32, #tpu.memory_space<vmem>> -> memref<125xi32, #tpu.memory_space<vmem>>
    %dma_start3A_263 = arith.constant 0 : i32
    %dma_start3A_264 = arith.constant 0 : i32
    %dma_start3A_265 = tpu.memref_slice %arg13[%dma_start3A_263, %dma_start3A_264] : memref<512x128xf32, #tpu.memory_space<vmem_shared>> -> memref<512x128xf32, #tpu.memory_space<vmem_shared>>
    tpu.enqueue_indirect_dma source(%arg11 : memref<125x128xf32, #tpu.memory_space<vmem>>) target(%dma_start3A_265 : memref<512x128xf32, #tpu.memory_space<vmem_shared>>) offsets(%dma_start3A_262 : memref<125xi32, #tpu.memory_space<vmem>>) semaphore(%arg24 : memref<!tpu.dma_semaphore, #tpu.memory_space<semaphore_mem>>) {add = true}
    %dma_wait3A_266 = arith.constant 8 : i32
    %dma_wait3A_267 = arith.constant 0 : i32
    %dma_wait3A_268 = tpu.memref_slice %arg6[%dma_wait3A_266, %dma_wait3A_267] : memref<15x125xi32, #tpu.memory_space<vmem>> -> memref<1x125xi32, #tpu.memory_space<vmem>>
    %dma_wait3A_269 = tpu.memref_squeeze %dma_wait3A_268 : memref<1x125xi32, #tpu.memory_space<vmem>> -> memref<125xi32, #tpu.memory_space<vmem>>
    %dma_wait3A_270 = arith.constant 0 : i32
    %dma_wait3A_271 = arith.constant 0 : i32
    %dma_wait3A_272 = tpu.memref_slice %arg13[%dma_wait3A_270, %dma_wait3A_271] : memref<512x128xf32, #tpu.memory_space<vmem_shared>> -> memref<512x128xf32, #tpu.memory_space<vmem_shared>>
    tpu.wait_indirect_dma semaphore(%arg22 : memref<!tpu.dma_semaphore, #tpu.memory_space<semaphore_mem>>) src(%arg9 : memref<125x128xf32, #tpu.memory_space<vmem>>) dst(%dma_wait3A_272 : memref<512x128xf32, #tpu.memory_space<vmem_shared>>)
    %add3A_273 = arith.constant 1750 : i32
    %add3A_274 = arith.addi %mul3A_2, %add3A_273 : i32
    %dma_start3A_275 = arith.constant 0 : i32
    %dma_start3A_276 = tpu.memref_slice %arg2[%add3A_274, %dma_start3A_275] : memref<100000x128xf32, #tpu.memory_space<hbm>> -> memref<125x128xf32, #tpu.memory_space<hbm>>
    %dma_start3A_277 = arith.constant 0 : i32
    %dma_start3A_278 = tpu.memref_slice %arg2[%add3A_274, %dma_start3A_277] : memref<100000x128xf32, #tpu.memory_space<hbm>> -> memref<125x128xf32, #tpu.memory_space<hbm>>
    tpu.enqueue_dma source(%dma_start3A_278 : memref<125x128xf32, #tpu.memory_space<hbm>>) target(%arg9 : memref<125x128xf32, #tpu.memory_space<vmem>>) target_semaphore(%arg16 : memref<!tpu.dma_semaphore, #tpu.memory_space<semaphore_mem>>)
    %dma_wait3A_279 = arith.constant 0 : i32
    %dma_wait3A_280 = tpu.memref_slice %arg2[%add3A_202, %dma_wait3A_279] : memref<100000x128xf32, #tpu.memory_space<hbm>> -> memref<125x128xf32, #tpu.memory_space<hbm>>
    %dma_wait3A_281 = arith.constant 0 : i32
    %dma_wait3A_282 = tpu.memref_slice %arg2[%add3A_202, %dma_wait3A_281] : memref<100000x128xf32, #tpu.memory_space<hbm>> -> memref<125x128xf32, #tpu.memory_space<hbm>>
    tpu.wait_dma2 semaphore(%arg19 : memref<!tpu.dma_semaphore, #tpu.memory_space<semaphore_mem>>) src(%dma_wait3A_282 : memref<125x128xf32, #tpu.memory_space<hbm>>) dst(%arg12 : memref<125x128xf32, #tpu.memory_space<vmem>>)
    %dma_start3A_283 = arith.constant 11 : i32
    %dma_start3A_284 = arith.constant 0 : i32
    %dma_start3A_285 = tpu.memref_slice %arg6[%dma_start3A_283, %dma_start3A_284] : memref<15x125xi32, #tpu.memory_space<vmem>> -> memref<1x125xi32, #tpu.memory_space<vmem>>
    %dma_start3A_286 = tpu.memref_squeeze %dma_start3A_285 : memref<1x125xi32, #tpu.memory_space<vmem>> -> memref<125xi32, #tpu.memory_space<vmem>>
    %dma_start3A_287 = arith.constant 0 : i32
    %dma_start3A_288 = arith.constant 0 : i32
    %dma_start3A_289 = tpu.memref_slice %arg13[%dma_start3A_287, %dma_start3A_288] : memref<512x128xf32, #tpu.memory_space<vmem_shared>> -> memref<512x128xf32, #tpu.memory_space<vmem_shared>>
    tpu.enqueue_indirect_dma source(%arg12 : memref<125x128xf32, #tpu.memory_space<vmem>>) target(%dma_start3A_289 : memref<512x128xf32, #tpu.memory_space<vmem_shared>>) offsets(%dma_start3A_286 : memref<125xi32, #tpu.memory_space<vmem>>) semaphore(%arg25 : memref<!tpu.dma_semaphore, #tpu.memory_space<semaphore_mem>>) {add = true}
    %dma_wait3A_290 = arith.constant 0 : i32
    %dma_wait3A_291 = tpu.memref_slice %arg2[%add3A_226, %dma_wait3A_290] : memref<100000x128xf32, #tpu.memory_space<hbm>> -> memref<125x128xf32, #tpu.memory_space<hbm>>
    %dma_wait3A_292 = arith.constant 0 : i32
    %dma_wait3A_293 = tpu.memref_slice %arg2[%add3A_226, %dma_wait3A_292] : memref<100000x128xf32, #tpu.memory_space<hbm>> -> memref<125x128xf32, #tpu.memory_space<hbm>>
    tpu.wait_dma2 semaphore(%arg14 : memref<!tpu.dma_semaphore, #tpu.memory_space<semaphore_mem>>) src(%dma_wait3A_293 : memref<125x128xf32, #tpu.memory_space<hbm>>) dst(%arg7 : memref<125x128xf32, #tpu.memory_space<vmem>>)
    %dma_start3A_294 = arith.constant 12 : i32
    %dma_start3A_295 = arith.constant 0 : i32
    %dma_start3A_296 = tpu.memref_slice %arg6[%dma_start3A_294, %dma_start3A_295] : memref<15x125xi32, #tpu.memory_space<vmem>> -> memref<1x125xi32, #tpu.memory_space<vmem>>
    %dma_start3A_297 = tpu.memref_squeeze %dma_start3A_296 : memref<1x125xi32, #tpu.memory_space<vmem>> -> memref<125xi32, #tpu.memory_space<vmem>>
    %dma_start3A_298 = arith.constant 0 : i32
    %dma_start3A_299 = arith.constant 0 : i32
    %dma_start3A_300 = tpu.memref_slice %arg13[%dma_start3A_298, %dma_start3A_299] : memref<512x128xf32, #tpu.memory_space<vmem_shared>> -> memref<512x128xf32, #tpu.memory_space<vmem_shared>>
    tpu.enqueue_indirect_dma source(%arg7 : memref<125x128xf32, #tpu.memory_space<vmem>>) target(%dma_start3A_300 : memref<512x128xf32, #tpu.memory_space<vmem_shared>>) offsets(%dma_start3A_297 : memref<125xi32, #tpu.memory_space<vmem>>) semaphore(%arg20 : memref<!tpu.dma_semaphore, #tpu.memory_space<semaphore_mem>>) {add = true}
    %dma_wait3A_301 = arith.constant 0 : i32
    %dma_wait3A_302 = tpu.memref_slice %arg2[%add3A_250, %dma_wait3A_301] : memref<100000x128xf32, #tpu.memory_space<hbm>> -> memref<125x128xf32, #tpu.memory_space<hbm>>
    %dma_wait3A_303 = arith.constant 0 : i32
    %dma_wait3A_304 = tpu.memref_slice %arg2[%add3A_250, %dma_wait3A_303] : memref<100000x128xf32, #tpu.memory_space<hbm>> -> memref<125x128xf32, #tpu.memory_space<hbm>>
    tpu.wait_dma2 semaphore(%arg15 : memref<!tpu.dma_semaphore, #tpu.memory_space<semaphore_mem>>) src(%dma_wait3A_304 : memref<125x128xf32, #tpu.memory_space<hbm>>) dst(%arg8 : memref<125x128xf32, #tpu.memory_space<vmem>>)
    %dma_start3A_305 = arith.constant 13 : i32
    %dma_start3A_306 = arith.constant 0 : i32
    %dma_start3A_307 = tpu.memref_slice %arg6[%dma_start3A_305, %dma_start3A_306] : memref<15x125xi32, #tpu.memory_space<vmem>> -> memref<1x125xi32, #tpu.memory_space<vmem>>
    %dma_start3A_308 = tpu.memref_squeeze %dma_start3A_307 : memref<1x125xi32, #tpu.memory_space<vmem>> -> memref<125xi32, #tpu.memory_space<vmem>>
    %dma_start3A_309 = arith.constant 0 : i32
    %dma_start3A_310 = arith.constant 0 : i32
    %dma_start3A_311 = tpu.memref_slice %arg13[%dma_start3A_309, %dma_start3A_310] : memref<512x128xf32, #tpu.memory_space<vmem_shared>> -> memref<512x128xf32, #tpu.memory_space<vmem_shared>>
    tpu.enqueue_indirect_dma source(%arg8 : memref<125x128xf32, #tpu.memory_space<vmem>>) target(%dma_start3A_311 : memref<512x128xf32, #tpu.memory_space<vmem_shared>>) offsets(%dma_start3A_308 : memref<125xi32, #tpu.memory_space<vmem>>) semaphore(%arg21 : memref<!tpu.dma_semaphore, #tpu.memory_space<semaphore_mem>>) {add = true}
    %dma_wait3A_312 = arith.constant 0 : i32
    %dma_wait3A_313 = tpu.memref_slice %arg2[%add3A_274, %dma_wait3A_312] : memref<100000x128xf32, #tpu.memory_space<hbm>> -> memref<125x128xf32, #tpu.memory_space<hbm>>
    %dma_wait3A_314 = arith.constant 0 : i32
    %dma_wait3A_315 = tpu.memref_slice %arg2[%add3A_274, %dma_wait3A_314] : memref<100000x128xf32, #tpu.memory_space<hbm>> -> memref<125x128xf32, #tpu.memory_space<hbm>>
    tpu.wait_dma2 semaphore(%arg16 : memref<!tpu.dma_semaphore, #tpu.memory_space<semaphore_mem>>) src(%dma_wait3A_315 : memref<125x128xf32, #tpu.memory_space<hbm>>) dst(%arg9 : memref<125x128xf32, #tpu.memory_space<vmem>>)
    %dma_start3A_316 = arith.constant 14 : i32
    %dma_start3A_317 = arith.constant 0 : i32
    %dma_start3A_318 = tpu.memref_slice %arg6[%dma_start3A_316, %dma_start3A_317] : memref<15x125xi32, #tpu.memory_space<vmem>> -> memref<1x125xi32, #tpu.memory_space<vmem>>
    %dma_start3A_319 = tpu.memref_squeeze %dma_start3A_318 : memref<1x125xi32, #tpu.memory_space<vmem>> -> memref<125xi32, #tpu.memory_space<vmem>>
    %dma_start3A_320 = arith.constant 0 : i32
    %dma_start3A_321 = arith.constant 0 : i32
    %dma_start3A_322 = tpu.memref_slice %arg13[%dma_start3A_320, %dma_start3A_321] : memref<512x128xf32, #tpu.memory_space<vmem_shared>> -> memref<512x128xf32, #tpu.memory_space<vmem_shared>>
    tpu.enqueue_indirect_dma source(%arg9 : memref<125x128xf32, #tpu.memory_space<vmem>>) target(%dma_start3A_322 : memref<512x128xf32, #tpu.memory_space<vmem_shared>>) offsets(%dma_start3A_319 : memref<125xi32, #tpu.memory_space<vmem>>) semaphore(%arg22 : memref<!tpu.dma_semaphore, #tpu.memory_space<semaphore_mem>>) {add = true}
    %dma_wait3A_323 = arith.constant 9 : i32
    %dma_wait3A_324 = arith.constant 0 : i32
    %dma_wait3A_325 = tpu.memref_slice %arg6[%dma_wait3A_323, %dma_wait3A_324] : memref<15x125xi32, #tpu.memory_space<vmem>> -> memref<1x125xi32, #tpu.memory_space<vmem>>
    %dma_wait3A_326 = tpu.memref_squeeze %dma_wait3A_325 : memref<1x125xi32, #tpu.memory_space<vmem>> -> memref<125xi32, #tpu.memory_space<vmem>>
    %dma_wait3A_327 = arith.constant 0 : i32
    %dma_wait3A_328 = arith.constant 0 : i32
    %dma_wait3A_329 = tpu.memref_slice %arg13[%dma_wait3A_327, %dma_wait3A_328] : memref<512x128xf32, #tpu.memory_space<vmem_shared>> -> memref<512x128xf32, #tpu.memory_space<vmem_shared>>
    tpu.wait_indirect_dma semaphore(%arg23 : memref<!tpu.dma_semaphore, #tpu.memory_space<semaphore_mem>>) src(%arg10 : memref<125x128xf32, #tpu.memory_space<vmem>>) dst(%dma_wait3A_329 : memref<512x128xf32, #tpu.memory_space<vmem_shared>>)
    %dma_wait3A_330 = arith.constant 10 : i32
    %dma_wait3A_331 = arith.constant 0 : i32
    %dma_wait3A_332 = tpu.memref_slice %arg6[%dma_wait3A_330, %dma_wait3A_331] : memref<15x125xi32, #tpu.memory_space<vmem>> -> memref<1x125xi32, #tpu.memory_space<vmem>>
    %dma_wait3A_333 = tpu.memref_squeeze %dma_wait3A_332 : memref<1x125xi32, #tpu.memory_space<vmem>> -> memref<125xi32, #tpu.memory_space<vmem>>
    %dma_wait3A_334 = arith.constant 0 : i32
    %dma_wait3A_335 = arith.constant 0 : i32
    %dma_wait3A_336 = tpu.memref_slice %arg13[%dma_wait3A_334, %dma_wait3A_335] : memref<512x128xf32, #tpu.memory_space<vmem_shared>> -> memref<512x128xf32, #tpu.memory_space<vmem_shared>>
    tpu.wait_indirect_dma semaphore(%arg24 : memref<!tpu.dma_semaphore, #tpu.memory_space<semaphore_mem>>) src(%arg11 : memref<125x128xf32, #tpu.memory_space<vmem>>) dst(%dma_wait3A_336 : memref<512x128xf32, #tpu.memory_space<vmem_shared>>)
    %dma_wait3A_337 = arith.constant 11 : i32
    %dma_wait3A_338 = arith.constant 0 : i32
    %dma_wait3A_339 = tpu.memref_slice %arg6[%dma_wait3A_337, %dma_wait3A_338] : memref<15x125xi32, #tpu.memory_space<vmem>> -> memref<1x125xi32, #tpu.memory_space<vmem>>
    %dma_wait3A_340 = tpu.memref_squeeze %dma_wait3A_339 : memref<1x125xi32, #tpu.memory_space<vmem>> -> memref<125xi32, #tpu.memory_space<vmem>>
    %dma_wait3A_341 = arith.constant 0 : i32
    %dma_wait3A_342 = arith.constant 0 : i32
    %dma_wait3A_343 = tpu.memref_slice %arg13[%dma_wait3A_341, %dma_wait3A_342] : memref<512x128xf32, #tpu.memory_space<vmem_shared>> -> memref<512x128xf32, #tpu.memory_space<vmem_shared>>
    tpu.wait_indirect_dma semaphore(%arg25 : memref<!tpu.dma_semaphore, #tpu.memory_space<semaphore_mem>>) src(%arg12 : memref<125x128xf32, #tpu.memory_space<vmem>>) dst(%dma_wait3A_343 : memref<512x128xf32, #tpu.memory_space<vmem_shared>>)
    %dma_wait3A_344 = arith.constant 12 : i32
    %dma_wait3A_345 = arith.constant 0 : i32
    %dma_wait3A_346 = tpu.memref_slice %arg6[%dma_wait3A_344, %dma_wait3A_345] : memref<15x125xi32, #tpu.memory_space<vmem>> -> memref<1x125xi32, #tpu.memory_space<vmem>>
    %dma_wait3A_347 = tpu.memref_squeeze %dma_wait3A_346 : memref<1x125xi32, #tpu.memory_space<vmem>> -> memref<125xi32, #tpu.memory_space<vmem>>
    %dma_wait3A_348 = arith.constant 0 : i32
    %dma_wait3A_349 = arith.constant 0 : i32
    %dma_wait3A_350 = tpu.memref_slice %arg13[%dma_wait3A_348, %dma_wait3A_349] : memref<512x128xf32, #tpu.memory_space<vmem_shared>> -> memref<512x128xf32, #tpu.memory_space<vmem_shared>>
    tpu.wait_indirect_dma semaphore(%arg20 : memref<!tpu.dma_semaphore, #tpu.memory_space<semaphore_mem>>) src(%arg7 : memref<125x128xf32, #tpu.memory_space<vmem>>) dst(%dma_wait3A_350 : memref<512x128xf32, #tpu.memory_space<vmem_shared>>)
    %dma_wait3A_351 = arith.constant 13 : i32
    %dma_wait3A_352 = arith.constant 0 : i32
    %dma_wait3A_353 = tpu.memref_slice %arg6[%dma_wait3A_351, %dma_wait3A_352] : memref<15x125xi32, #tpu.memory_space<vmem>> -> memref<1x125xi32, #tpu.memory_space<vmem>>
    %dma_wait3A_354 = tpu.memref_squeeze %dma_wait3A_353 : memref<1x125xi32, #tpu.memory_space<vmem>> -> memref<125xi32, #tpu.memory_space<vmem>>
    %dma_wait3A_355 = arith.constant 0 : i32
    %dma_wait3A_356 = arith.constant 0 : i32
    %dma_wait3A_357 = tpu.memref_slice %arg13[%dma_wait3A_355, %dma_wait3A_356] : memref<512x128xf32, #tpu.memory_space<vmem_shared>> -> memref<512x128xf32, #tpu.memory_space<vmem_shared>>
    tpu.wait_indirect_dma semaphore(%arg21 : memref<!tpu.dma_semaphore, #tpu.memory_space<semaphore_mem>>) src(%arg8 : memref<125x128xf32, #tpu.memory_space<vmem>>) dst(%dma_wait3A_357 : memref<512x128xf32, #tpu.memory_space<vmem_shared>>)
    %dma_wait3A_358 = arith.constant 14 : i32
    %dma_wait3A_359 = arith.constant 0 : i32
    %dma_wait3A_360 = tpu.memref_slice %arg6[%dma_wait3A_358, %dma_wait3A_359] : memref<15x125xi32, #tpu.memory_space<vmem>> -> memref<1x125xi32, #tpu.memory_space<vmem>>
    %dma_wait3A_361 = tpu.memref_squeeze %dma_wait3A_360 : memref<1x125xi32, #tpu.memory_space<vmem>> -> memref<125xi32, #tpu.memory_space<vmem>>
    %dma_wait3A_362 = arith.constant 0 : i32
    %dma_wait3A_363 = arith.constant 0 : i32
    %dma_wait3A_364 = tpu.memref_slice %arg13[%dma_wait3A_362, %dma_wait3A_363] : memref<512x128xf32, #tpu.memory_space<vmem_shared>> -> memref<512x128xf32, #tpu.memory_space<vmem_shared>>
    tpu.wait_indirect_dma semaphore(%arg22 : memref<!tpu.dma_semaphore, #tpu.memory_space<semaphore_mem>>) src(%arg9 : memref<125x128xf32, #tpu.memory_space<vmem>>) dst(%dma_wait3A_364 : memref<512x128xf32, #tpu.memory_space<vmem_shared>>)
    %barrier3A_365 = arith.constant 0 : index
    tpu.barrier barrier_id(%barrier3A_365)
    %eq3A_366 = arith.constant 0 : i32
    %eq3A_367 = arith.cmpi eq, %arg1, %eq3A_366 : i32
    %convert_element_type3A_368 = arith.extui %eq3A_367 : i1 to i32
    %cond3A_369 = arith.constant 0 : i32
    %cond3A_370 = arith.cmpi ne, %convert_element_type3A_368, %cond3A_369 : i32
    scf.if %cond3A_370 {
      "tpu.region"() ({
        %run_scoped3A = tpu.sem_alloc : memref<!tpu.dma_semaphore, #tpu.memory_space<semaphore_mem>>
        %dma_start3A_371 = arith.constant 0 : i32
        %dma_start3A_372 = arith.constant 0 : i32
        %dma_start3A_373 = tpu.memref_slice %arg5[%arg0, %dma_start3A_371, %dma_start3A_372] : memref<2x512x128xf32, #tpu.memory_space<hbm>> -> memref<1x512x128xf32, #tpu.memory_space<hbm>>
        %dma_start3A_374 = tpu.memref_squeeze %dma_start3A_373 : memref<1x512x128xf32, #tpu.memory_space<hbm>> -> memref<512x128xf32, #tpu.memory_space<hbm>>
        tpu.enqueue_dma source(%arg13 : memref<512x128xf32, #tpu.memory_space<vmem_shared>>) target(%dma_start3A_374 : memref<512x128xf32, #tpu.memory_space<hbm>>) target_semaphore(%run_scoped3A : memref<!tpu.dma_semaphore, #tpu.memory_space<semaphore_mem>>)
        %dma_wait3A_375 = arith.constant 0 : i32
        %dma_wait3A_376 = arith.constant 0 : i32
        %dma_wait3A_377 = tpu.memref_slice %arg5[%arg0, %dma_wait3A_375, %dma_wait3A_376] : memref<2x512x128xf32, #tpu.memory_space<hbm>> -> memref<1x512x128xf32, #tpu.memory_space<hbm>>
        %dma_wait3A_378 = tpu.memref_squeeze %dma_wait3A_377 : memref<1x512x128xf32, #tpu.memory_space<hbm>> -> memref<512x128xf32, #tpu.memory_space<hbm>>
        tpu.wait_dma2 semaphore(%run_scoped3A : memref<!tpu.dma_semaphore, #tpu.memory_space<semaphore_mem>>) src(%arg13 : memref<512x128xf32, #tpu.memory_space<vmem_shared>>) dst(%dma_wait3A_378 : memref<512x128xf32, #tpu.memory_space<hbm>>)
        tpu.yield
      }) : () -> ()
    } else {
    }
    return
  }
}

module attributes {stable_mosaic.version = 14 : i64} {
  func.func @_tc_segsum_body(%arg0: i32, %arg1: memref<1x1x5000xi32, #tpu.memory_space<vmem>>, %arg2: memref<5000x128xf32, #tpu.memory_space<vmem>>, %arg3: memref<512x128xf32, #tpu.memory_space<vmem>>) attributes {dimension_semantics = [#tpu.dimension_semantics<arbitrary>], iteration_bounds = array<i64: 8>, scalar_prefetch = 0 : i64, scratch_operands = 0 : i64, tpu.core_type = #tpu.core_type<tc>, window_params = [{transform_indices = @transform_0, window_bounds = array<i64: 1, 1, 5000>}, {transform_indices = @transform_1, window_bounds = array<i64: 5000, 128>}, {pipeline_mode = #tpu.pipeline_mode<synchronous>, transform_indices = @transform_2, window_bounds = array<i64: 512, 128>}]} {
    %eq3A = arith.constant 0 : i32
    %eq3A_0 = arith.cmpi eq, %arg0, %eq3A : i32
    %convert_element_type3A = arith.extui %eq3A_0 : i1 to i32
    %cond3A = arith.constant 0 : i32
    %cond3A_1 = arith.cmpi ne, %convert_element_type3A, %cond3A : i32
    scf.if %cond3A_1 {
      %broadcast_in_dim3A = arith.constant 0.000000e+00 : f32
      %broadcast_in_dim3A_21 = vector.broadcast %broadcast_in_dim3A : f32 to vector<512x128xf32>
      %swap3A_22 = arith.constant 0 : index
      %swap3A_23 = arith.constant 0 : index
      %swap3A_24 = vector.load %arg3[%swap3A_22, %swap3A_23] : memref<512x128xf32, #tpu.memory_space<vmem>>, vector<512x128xf32>
      tpu.vector_store %arg3[%swap3A_22, %swap3A_23], %broadcast_in_dim3A_21 {strides = array<i32>} : memref<512x128xf32, #tpu.memory_space<vmem>>, vector<512x128xf32>,
    } else {
    }
    %iota3A = tpu.iota {dimensions = array<i32: 0>} : vector<512x5000xi32>
    %get3A = arith.constant 0 : index
    %get3A_2 = arith.constant 0 : index
    %get3A_3 = arith.constant 0 : index
    %get3A_4 = vector.load %arg1[%get3A, %get3A_2, %get3A_3] : memref<1x1x5000xi32, #tpu.memory_space<vmem>>, vector<1x1x5000xi32>
    %get3A_5 = vector.shape_cast %get3A_4 : vector<1x1x5000xi32> to vector<1x5000xi32>
    %eq3A_6 = vector.broadcast %get3A_5 : vector<1x5000xi32> to vector<512x5000xi32>
    %eq3A_7 = arith.cmpi eq, %iota3A, %eq3A_6 : vector<512x5000xi32>
    %convert_element_type3A_8 = arith.extui %eq3A_7 : vector<512x5000xi1> to vector<512x5000xi32>
    %convert_element_type3A_9 = arith.sitofp %convert_element_type3A_8 : vector<512x5000xi32> to vector<512x5000xf32>
    %convert_element_type3A_10 = arith.truncf %convert_element_type3A_9 : vector<512x5000xf32> to vector<512x5000xbf16>
    %get3A_11 = arith.constant 0 : index
    %get3A_12 = arith.constant 0 : index
    %get3A_13 = vector.load %arg2[%get3A_11, %get3A_12] : memref<5000x128xf32, #tpu.memory_space<vmem>>, vector<5000x128xf32>
    %convert_element_type3A_14 = arith.truncf %get3A_13 : vector<5000x128xf32> to vector<5000x128xbf16>
    %get3A_15 = arith.constant 0 : index
    %get3A_16 = arith.constant 0 : index
    %get3A_17 = vector.load %arg3[%get3A_15, %get3A_16] : memref<512x128xf32, #tpu.memory_space<vmem>>, vector<512x128xf32>
    %dot_general3A = arith.constant dense<0.000000e+00> : vector<512x128xf32>
    %dot_general3A_18 = tpu.matmul %convert_element_type3A_10, %convert_element_type3A_14, %dot_general3A {dimension_numbers = #tpu.dot_dimension_numbers<[1], [0], [0], [1], [0, 0, 1, 1], [], []>, transpose_lhs_hint = false} : vector<512x5000xbf16>, vector<5000x128xbf16>, vector<512x128xf32> -> vector<512x128xf32>
    %add3A = arith.addf %get3A_17, %dot_general3A_18 : vector<512x128xf32>
    %swap3A = arith.constant 0 : index
    %swap3A_19 = arith.constant 0 : index
    %swap3A_20 = vector.load %arg3[%swap3A, %swap3A_19] : memref<512x128xf32, #tpu.memory_space<vmem>>, vector<512x128xf32>
    tpu.vector_store %arg3[%swap3A, %swap3A_19], %add3A {strides = array<i32>} : memref<512x128xf32, #tpu.memory_space<vmem>>, vector<512x128xf32>,
    return
  }
  func.func @transform_0(%arg0: i32) -> (i32, i32, i32) {
    %add3A = arith.constant 12 : i32
    %add3A_0 = arith.addi %arg0, %add3A : i32
    %c0_i32 = arith.constant 0 : i32
    %c0_i32_1 = arith.constant 0 : i32
    %c0_i32_2 = arith.constant 0 : i32
    return %add3A_0, %c0_i32, %c0_i32_1 : i32, i32, i32
  }
  func.func @transform_1(%arg0: i32) -> (i32, i32) {
    %add3A = arith.constant 12 : i32
    %add3A_0 = arith.addi %arg0, %add3A : i32
    %c0_i32 = arith.constant 0 : i32
    %c0_i32_1 = arith.constant 0 : i32
    return %add3A_0, %c0_i32 : i32, i32
  }
  func.func @transform_2(%arg0: i32) -> (i32, i32) {
    %c0_i32 = arith.constant 0 : i32
    %c0_i32_0 = arith.constant 0 : i32
    %c0_i32_1 = arith.constant 0 : i32
    return %c0_i32, %c0_i32_0 : i32, i32
  }
}

module attributes {stable_mosaic.version = 14 : i64} {
  func.func @_mlp_body(%arg0: memref<2x512x128xf32, #tpu.memory_space<vmem>>, %arg1: memref<512x128xf32, #tpu.memory_space<vmem>>, %arg2: memref<256x128xf32, #tpu.memory_space<vmem>>, %arg3: memref<1x256xf32, #tpu.memory_space<vmem>>, %arg4: memref<64x256xf32, #tpu.memory_space<vmem>>, %arg5: memref<1x64xf32, #tpu.memory_space<vmem>>, %arg6: memref<512x64xf32, #tpu.memory_space<vmem>>) attributes {dimension_semantics = [], scalar_prefetch = 0 : i64, scratch_operands = 0 : i64, tpu.core_type = #tpu.core_type<tc>} {
    %get3A = arith.constant 0 : index
    %get3A_0 = arith.constant 0 : index
    %get3A_1 = arith.constant 0 : index
    %get3A_2 = vector.load %arg0[%get3A, %get3A_0, %get3A_1] : memref<2x512x128xf32, #tpu.memory_space<vmem>>, vector<1x512x128xf32>
    %get3A_3 = vector.shape_cast %get3A_2 : vector<1x512x128xf32> to vector<512x128xf32>
    %get3A_4 = arith.constant 1 : index
    %get3A_5 = arith.constant 0 : index
    %get3A_6 = arith.constant 0 : index
    %get3A_7 = vector.load %arg0[%get3A_4, %get3A_5, %get3A_6] : memref<2x512x128xf32, #tpu.memory_space<vmem>>, vector<1x512x128xf32>
    %get3A_8 = vector.shape_cast %get3A_7 : vector<1x512x128xf32> to vector<512x128xf32>
    %add3A = arith.addf %get3A_3, %get3A_8 : vector<512x128xf32>
    %get3A_9 = arith.constant 0 : index
    %get3A_10 = arith.constant 0 : index
    %get3A_11 = vector.load %arg1[%get3A_9, %get3A_10] : memref<512x128xf32, #tpu.memory_space<vmem>>, vector<512x128xf32>
    %add3A_12 = arith.addf %add3A, %get3A_11 : vector<512x128xf32>
    %get3A_13 = arith.constant 0 : index
    %get3A_14 = arith.constant 0 : index
    %get3A_15 = vector.load %arg2[%get3A_13, %get3A_14] : memref<256x128xf32, #tpu.memory_space<vmem>>, vector<256x128xf32>
    %dot_general3A = arith.constant dense<0.000000e+00> : vector<512x256xf32>
    %dot_general3A_16 = tpu.matmul %add3A_12, %get3A_15, %dot_general3A {dimension_numbers = #tpu.dot_dimension_numbers<[1], [1], [0], [0], [0, 0, 1, 0], [], []>, transpose_lhs_hint = false} : vector<512x128xf32>, vector<256x128xf32>, vector<512x256xf32> -> vector<512x256xf32>
    %get3A_17 = arith.constant 0 : index
    %get3A_18 = arith.constant 0 : index
    %get3A_19 = vector.load %arg3[%get3A_17, %get3A_18] : memref<1x256xf32, #tpu.memory_space<vmem>>, vector<1x256xf32>
    %add3A_20 = vector.broadcast %get3A_19 : vector<1x256xf32> to vector<512x256xf32>
    %add3A_21 = arith.addf %dot_general3A_16, %add3A_20 : vector<512x256xf32>
    %max3A = arith.constant 0.000000e+00 : f32
    %max3A_22 = vector.broadcast %max3A : f32 to vector<512x256xf32>
    %max3A_23 = arith.maximumf %add3A_21, %max3A_22 : vector<512x256xf32>
    %get3A_24 = arith.constant 0 : index
    %get3A_25 = arith.constant 0 : index
    %get3A_26 = vector.load %arg4[%get3A_24, %get3A_25] : memref<64x256xf32, #tpu.memory_space<vmem>>, vector<64x256xf32>
    %dot_general3A_27 = arith.constant dense<0.000000e+00> : vector<512x64xf32>
    %dot_general3A_28 = tpu.matmul %max3A_23, %get3A_26, %dot_general3A_27 {dimension_numbers = #tpu.dot_dimension_numbers<[1], [1], [0], [0], [0, 0, 1, 0], [], []>, transpose_lhs_hint = false} : vector<512x256xf32>, vector<64x256xf32>, vector<512x64xf32> -> vector<512x64xf32>
    %get3A_29 = arith.constant 0 : index
    %get3A_30 = arith.constant 0 : index
    %get3A_31 = vector.load %arg5[%get3A_29, %get3A_30] : memref<1x64xf32, #tpu.memory_space<vmem>>, vector<1x64xf32>
    %add3A_32 = vector.broadcast %get3A_31 : vector<1x64xf32> to vector<512x64xf32>
    %add3A_33 = arith.addf %dot_general3A_28, %add3A_32 : vector<512x64xf32>
    %swap3A = arith.constant 0 : index
    %swap3A_34 = arith.constant 0 : index
    %swap3A_35 = vector.load %arg6[%swap3A, %swap3A_34] : memref<512x64xf32, #tpu.memory_space<vmem>>, vector<512x64xf32>
    tpu.vector_store %arg6[%swap3A, %swap3A_34], %add3A_33 {strides = array<i32>} : memref<512x64xf32, #tpu.memory_space<vmem>>, vector<512x64xf32>,
    return
  }
}

</mosaic_0001>

<sc_bundles>
// kernel: kernel.5.cloned.1.call-start
scs
__scs_entry_jumppad:
0x0: {  	(pc) =	sbr.rel $0x88, $3  }
0x1: {  	(tag) =	ssettag $0x0;
	lr =	simm.s32 $0x1  }
0x2: {  	[smem:$0x3F9B] =	sst lr;
	_ =	strace $0xD0000000  }
0x3: {  	_ = 	snop  }
0x4: {  	_ = 	snop  }
0x5: {  	_ = 	snop  }
0x6: {  	_ = 	snop  }
0x7: {  	_ = 	snop  }
__scs_overlays_trampoline_lowered:
0x8: {  	[smem:$0x3FAA] =	sst s0  }
0x9: {  	[smem:$0x3FAB] =	sst s1  }
0xa: {  	[smem:$0x3FAC] =	sst s2  }
0xb: {  	[smem:$0x3FAD] =	sst s3  }
0xc: {  	[smem:$0x3FAE] =	sst s4  }
0xd: {  	[smem:$0x3FAF] =	sst s5  }
0xe: {  	[smem:$0x3FB0] =	sst s6  }
0xf: {  	[smem:$0x3FB1] =	sst s7  }
0x10: {  	[smem:$0x3FB2] =	sst s8  }
0x11: {  	[smem:$0x3FB3] =	sst s9;
	s0 =	simm.s32 @!p0 $0x0  }
0x12: {  	s1 =	sld [smem:$0x3F99];
	s0 =	simm.s32 @p0 $0x1  }
0x13: {  	[smem:$0x3FB4] =	sst s0;
	s0 =	simm.s32 @!p1 $0x0  }
0x14: {  	s2 =	sld [smem:$0x3F98];
	s0 =	simm.s32 @p1 $0x1  }
0x15: {  	[smem:$0x3FB5] =	sst s0;
	s0 =	simm.s32 @!p2 $0x0  }
0x16: {  	s3 =	sld [smem:$0x3FDB];
	s0 =	simm.s32 @p2 $0x1  }
0x17: {  	s4 =	simm.s32 $0x1BF5;
	[smem:$0x3FB7] =	sst s0  }
0x18: {  	s0 =	sld [smem:$0x3F9A];
	_ =	swait.ge [sflag:s4], $0x0  }
0x19: {  	s7 =	sld [smem:$0x3F9B]  }
0x1a: {  	s8 =	sadd.s32 $0xFFFFE003, lr  }
0x1b: {  	s9 =	sadd.s32 $0xFFFFFEF7, lr;
	s5 =	simm.s32 $0xFFFFFFFF;
	p2 =	slt.u32 s8, $0xFFFFF086  }
0x1c: {  	p1 =	slt.u32 s9, $0xF7A;
	s5 =	simm.s32 @!p2 $0x0  }
0x1d: {  	s5 =	simm.s32 @p1 $0x1;
	p0 =	seq.s32 s7, s2  }
0x1e: {  	s7 =	smul.u32 @!p0 $0xF7A, s2;
	p2 =	seq.s32 @!p0 s5, $0x0  }
0x1f: {  	s9 =	smul.u32 $0xF7A, s1;
	s8 =	simm.s32 @!p0 $0x1BF5;
	p2 =	por !p2, p0  }
0x20: {  	[sflag:s8] =	ssyncset.s32 @!p0 $0xFFFFF086;
	s6 =	sadd.s32 @!p0 s3, s7;
	s7 =	simm.s32 @!p0 $0x108  }
0x21: {  	s3 =	sadd.s32 s3, s9;
	s6 =	sadd.s32 @!p0 $0x88, s6;
	s7 =	simm.s32 @p2 $0x1082  }
0x22: {  	[simem:s7], [sflag:s8] =	dma.local @!p0 [hbm:s6], $0xF7A  }
0x23: {  	s9 =	sor.u32 $0xD0000000, s2;
	s6 =	simm.s32 $0x108;
	_ =	swait.ge @!p0 [sflag:s8], $0x0  }
0x24: {  	s3 =	sadd.s32 $0x88, s3;
	s6 =	simm.s32 @!p1 $0x1082;
	[sflag:s4] =	ssyncset.s32 $0xFFFFF086  }
0x25: {  	[simem:s6], [sflag:s4] =	dma.local [hbm:s3], $0xF7A  }
0x26: {  	[smem:$0x3F9B] =	sst s1;
	(tag) =	ssettag s2;
	_ =	strace s9  }
0x27: {  	s1 =	sld [smem:$0x3FAB]  }
0x28: {  	s2 =	sld [smem:$0x3FAC]  }
0x29: {  	s4 =	sld [smem:$0x3FAE]  }
0x2a: {  	p0 =	seq.s32 s5, $0x0;
	s5 =	sld [smem:$0x3FAF]  }
0x2b: {  	s6 =	sld [smem:$0x3FB0]  }
0x2c: {  	s7 =	sld [smem:$0x3FB1]  }
0x2d: {  	s3 =	simm.s32 $0x108;
	s8 =	sld [smem:$0x3FB2]  }
0x2e: {  	s3 =	simm.s32 @!p0 $0x1082;
	s9 =	sld [smem:$0x3FB3]  }
0x2f: {  	lr =	sadd.s32 s0, s3;
	s0 =	sld [smem:$0x3FAA]  }
0x30: {  	s3 =	sld [smem:$0x3FAD]  }
0x31: {  	[smem:$0x3FB6] =	sst s10  }
0x32: {  	s10 =	sld [smem:$0x3FB4];
	_ =	sdelay $0x3  }
0x33: {  	p0 =	seq.s32 s10, $0x1;
	s10 =	sld [smem:$0x3FB6];
	_ =	sdelay $0x3  }
0x34: {  	[smem:$0x3FB6] =	sst s10  }
0x35: {  	s10 =	sld [smem:$0x3FB5];
	_ =	sdelay $0x3  }
0x36: {  	p1 =	seq.s32 s10, $0x1;
	s10 =	sld [smem:$0x3FB6];
	_ =	sdelay $0x3  }
0x37: {  	[smem:$0x3FB6] =	sst s10  }
0x38: {  	s10 =	sld [smem:$0x3FB7]  }
0x39: {  	_ = 	snop;
	(pc) =	sbr.ind lr, $3  }
0x3a: {  	_ = 	snop  }
0x3b: {  	_ = 	snop  }
0x3c: {  	p2 =	seq.s32 s10, $0x1;
	s10 =	sld [smem:$0x3FB6]  }
0x3d: {  	_ =	shalt  }
0x3e: {  	_ =	shalt  }
0x3f: {  	_ =	shalt  }
0x40: {  	_ =	shalt  }
0x41: {  	_ =	shalt  }
0x42: {  	_ =	shalt  }
0x43: {  	_ =	shalt  }
0x44: {  	_ =	shalt  }
0x45: {  	_ =	shalt  }
0x46: {  	_ =	shalt  }
0x47: {  	_ =	shalt  }
0x48: {  	_ =	shalt  }
0x49: {  	_ =	shalt  }
0x4a: {  	_ =	shalt  }
0x4b: {  	_ =	shalt  }
0x4c: {  	_ =	shalt  }
0x4d: {  	_ =	shalt  }
0x4e: {  	_ =	shalt  }
0x4f: {  	_ =	shalt  }
0x50: {  	_ =	shalt  }
0x51: {  	_ =	shalt  }
0x52: {  	_ =	shalt  }
0x53: {  	_ =	shalt  }
0x54: {  	_ =	shalt  }
0x55: {  	_ =	shalt  }
0x56: {  	_ =	shalt  }
0x57: {  	_ =	shalt  }
0x58: {  	_ =	shalt  }
0x59: {  	_ =	shalt  }
0x5a: {  	_ =	shalt  }
0x5b: {  	_ =	shalt  }
0x5c: {  	_ =	shalt  }
0x5d: {  	_ =	shalt  }
0x5e: {  	_ =	shalt  }
0x5f: {  	_ =	shalt  }
0x60: {  	_ =	shalt  }
0x61: {  	_ =	shalt  }
0x62: {  	_ =	shalt  }
0x63: {  	_ =	shalt  }
0x64: {  	_ =	shalt  }
0x65: {  	_ =	shalt  }
0x66: {  	_ =	shalt  }
0x67: {  	_ =	shalt  }
0x68: {  	_ =	shalt  }
0x69: {  	_ =	shalt  }
0x6a: {  	_ =	shalt  }
0x6b: {  	_ =	shalt  }
0x6c: {  	_ =	shalt  }
0x6d: {  	_ =	shalt  }
0x6e: {  	_ =	shalt  }
0x6f: {  	_ =	shalt  }
0x70: {  	_ =	shalt  }
0x71: {  	_ =	shalt  }
0x72: {  	_ =	shalt  }
0x73: {  	_ =	shalt  }
0x74: {  	_ =	shalt  }
0x75: {  	_ =	shalt  }
0x76: {  	_ =	shalt  }
0x77: {  	_ =	shalt  }
0x78: {  	_ =	shalt  }
0x79: {  	_ =	shalt  }
0x7a: {  	_ =	shalt  }
0x7b: {  	_ =	shalt  }
0x7c: {  	_ =	shalt  }
0x7d: {  	_ =	shalt  }
0x7e: {  	_ =	shalt  }
0x7f: {  	_ =	shalt  }
0x80: {  	_ =	shalt  }
0x81: {  	_ =	shalt  }
0x82: {  	_ =	shalt  }
0x83: {  	_ =	shalt  }
0x84: {  	_ =	shalt  }
0x85: {  	_ =	shalt  }
0x86: {  	_ =	shalt  }
0x87: {  	_ =	shalt  }
.Lfunc_end0:
.L_simem_size_0:
called_computation_lowered:
.L_overlay_start_0:
0x88: {  	s2 =	sld [smem:$0x3FD9]  }
0x89: {  	s3 =	sld [smem:$0x3FFE];
	_ =	sdelay $0x1  }
0x8a: {  	s1 =	srdreg.scid  }
0x8b: {  	s0 =	sand.u32 $0x1, s1  }
0x8c: {  	s17 =	sshll.u32 s0, $0xA;
	s2 =	sadd.s32 s3, s2  }
0x8d: {  	s2 =	sadd.s32 s2, s17  }
0x8e: {  	[smem:$0x3FC2] =	sst s2  }
0x8f: {  	_ = 	snop  }
0x90: {  	s2 =	sld [smem:$0x3FC9];
	(tm) =	ssettm $0x1  }
0x91: {  	s18 =	sld [smem:$0x3FFB];
	_ =	sdelay $0x3  }
0x92: {  	_ =	strace s18  }
0x93: {  	s3 =	sld [smem:$0x3FFC];
	_ =	sdelay $0x3  }
0x94: {  	_ =	strace s3  }
0x95: {  	s3 =	sld [smem:$0x3FFD];
	_ =	sdelay $0x3  }
0x96: {  	_ =	strace s3  }
0x97: {  	_ =	strace $0x8FFFFFFF  }
0x98: {  	s19 =	sld [smem:$0x3FDB];
	_ =	sdelay $0x1  }
0x99: {  	s4 =	simm.s32 $_scs_section_size  }
0x9a: {  	s5 =	simm.s32 $_size__tile_overlayer_lowered;
	s6 =	simm.s32 $_tile_overlayer_lowered  }
0x9b: {  	s22 =	simm.s32 $0x1BFF;
	s21 =	sshll.u32 s6, $0x1;
	s3 =	sadd.s32 s4, s19  }
0x9c: {  	s7 =	simm.s32 $0x0;
	s20 =	sshll.u32 s5, $0x1;
	s5 =	sadd.s32 s21, s3  }
0x9d: {  	[timem:s7], [sflag:s22] =	dma.local [hbm:s5], s20  }
0x9e: {  	_ =	swait.ge [sflag:s22], s20  }
0x9f: {  	s4 =	ssub.s32 $0x0, s20;
	[sflag:s22] =	ssyncset.done $0x0  }
0xa0: {  	[sflag:s22] =	ssyncadd.s32 s4;
	_ =	sdelay $0x1  }
0xa1: {  	s23 =	simm.s32 $0x1B8B  }
0xa2: {  	_ =	swait.ge [sflag:s23], $0x1  }
0xa3: {  	[sflag:s23] =	ssyncset.done $0x0  }
0xa4: {  	s25 =	simm.s32 $0x1B8E;
	s24 =	sld [smem:$0x3FFE];
	[sflag:s23] =	ssyncadd.s32 $0xFFFFFFFF  }
0xa5: {  	s26 =	simm.s32 $execute0_lowered;
	[smem:$0x3FD2] =	sst s25  }
0xa6: {  	s5 =	sshll.u32 s26, $0x1;
	_ =	strace $0x80000046;
	[dreg:$0x1] =	wrdreg $0xFFFFFFFF  }
0xa7: {  	s28 =	simm.s32 $_size_execute0_lowered;
	s3 =	sadd.s32 s3, s5;
	[dreg:$0x0] =	wrdreg $0x0  }
0xa8: {  	s5 =	sshll.u32 s28, $0x1;
	[dreg:$0x2] =	wrdreg s3  }
0xa9: {  	[dreg:$0x3] =	wrdreg s5  }
0xaa: {  	[dreg:$0x4] =	wrdreg $0xC0  }
0xab: {  	_ =	task [dreg:s7], $0x5FFFF  }
0xac: {  	[dreg:$0x1] =	wrdreg $0xFFFFFFFF  }
0xad: {  	[dreg:$0x0] =	wrdreg $0x60  }
0xae: {  	[dreg:$0x2] =	wrdreg s2  }
0xaf: {  	[dreg:$0x3] =	wrdreg s24  }
0xb0: {  	[dreg:$0x4] =	wrdreg $0x17E800  }
0xb1: {  	[dreg:$0x5] =	wrdreg $0x9  }
0xb2: {  	_ =	task.clear_ibuf [dreg:s7], $0x6FFFF;
	_ =	strace $0x90000046  }
0xb3: {  	s29 =	simm.s32 $0x9;
	_ =	strace $0x80000048  }
0xb4: {  	_ =	swait.ge [sflag:s29], $0x1  }
0xb5: {  	[sflag:s29] =	ssyncadd.s32 $0xFFFFFFFF  }
0xb6: {  	_ =	strace $0x90000048  }
0xb7: {  	_ =	sfence  }
0xb8: {  	s30 =	sld [smem:$0x0];
	_ =	sdelay $0x2  }
0xb9: {  	s31 =	sshll.u32 s1, $0xD;
	s1 =	sshrl.u32 s1, $0x2  }
0xba: {  	s3 =	sand.u32 $0x4000, s31;
	s1 =	sadd.s32 s1, s30  }
0xbb: {  	s0 =	sor.u32 s3, s0;
	s1 =	sshll.u32 s1, $0x11  }
0xbc: {  	s0 =	sor.u32 s1, s0  }
0xbd: {  	s0 =	sadd.s32 $0x8F2B, s0  }
0xbe: {  	[sflag:s0] =	ssyncadd.remote.s32 $0x1  }
0xbf: {  	_ =	sfence.sel $0xFFFF  }
0xc0: {  	[dreg:$0x0] =	wrdreg $0xFFFFFFFF;
	(pc) =	sbr.abs _section_cstart, $3  }
0xc1: {  	[dreg:$0x1] =	wrdreg $0xFFFFFFFF  }
0xc2: {  	_ =	task.clear_ibuf [dreg:s7], $0x2FFFF;
	_ =	strace $0x9FFFFFFF  }
0xc3: {  	(tm) =	ssettm $0x7FFFFFFF  }
tec
execute0_lowered:
.L_overlay_start_1:
0x0: {  	(tag) =	ssettag $0x1  }
0x1: {  	s0 =	rddreg [dreg:$0x0]  }
0x2: {  	s3 =	rddreg [dreg:$0x1];
	s2 =	srdreg.scid  }
0x3: {  	s4 =	stileid.u32;
	s1 =	rddreg [dreg:$0x2]  }
0x4: {  	s31 =	rddreg [dreg:$0x3];
	s5 =	sand.u32 $0x1, s2;
	s2 =	simm.s32 $0x0  }
0x5: {  	s23 =	simm.s32 $0x80;
	s9 =	sadd.s32 $0x2E00, s3;
	[smem:$0x7FF] =	sst s2  }
0x6: {  	s6 =	sshll.u32 s4, $0x1;
	_ =	strace $0x80000047;
	[dreg:$0x4] =	wrdreg s9  }
0x7: {  	s24 =	simm.s32 $0x100;
	s6 =	sor.u32 s5, s6;
	[dreg:$0x16] =	wrdreg s23  }
0x8: {  	s25 =	simm.s32 $0x180;
	s7 =	smul.u32 $0xF0, s6;
	[dreg:$0x17] =	wrdreg s24  }
0x9: {  	s26 =	simm.s32 $0x200;
	s8 =	smul.u32 $0x3A980, s6;
	[dreg:$0x18] =	wrdreg s25  }
0xa: {  	s29 =	simm.s32 $0x300;
	s6 =	smul.u32 $0x7530, s6;
	[dreg:$0x19] =	wrdreg s26  }
0xb: {  	s30 =	simm.s32 $0x500;
	s16 =	sshll.u32 s5, $0xD;
	[dreg:$0x1b] =	wrdreg s29  }
0xc: {  	[dreg:$0x1f] =	wrdreg s30;
	s7 =	sadd.s32 s7, s3;
	s6 =	sadd.s32 s0, s6  }
0xd: {  	s3 =	sadd.s32 s16, s3;
	s16 =	simm.s32 $0x280;
	[dreg:$0x6] =	wrdreg s6  }
0xe: {  	s8 =	sshrl.u32 s8, $0x3;
	s7 =	sadd.s32 $0x1000, s7;
	[dreg:$0x1a] =	wrdreg s16  }
0xf: {  	s0 =	sadd.s32 s0, s8;
	s22 =	sadd.s32 $0x4E00, s3;
	[dreg:$0x5] =	wrdreg s7  }
0x10: {  	s28 =	simm.s32 $0xD;
	s7 =	sadd.s32 $0x7D0, s0;
	[dreg:$0x15] =	wrdreg s22  }
0x11: {  	p1 =	por $0x0, $0x0;
	s8 =	sadd.s32 $0xFA0, s0;
	[dreg:$0x7] =	wrdreg s7  }
0x12: {  	p0 =	sne.s32 s4, $0x0;
	s9 =	sadd.s32 $0x1770, s0;
	[dreg:$0x8] =	wrdreg s8  }
0x13: {  	s4 =	simm.s32 $0x8480;
	s10 =	sadd.s32 $0x1F40, s0;
	[dreg:$0x9] =	wrdreg s9  }
0x14: {  	s5 =	ssub.s32 $0x2, s5;
	s11 =	sadd.s32 $0x2710, s0;
	[dreg:$0xa] =	wrdreg s10  }
0x15: {  	s20 =	sshrl.u32 s5, $0x1;
	s12 =	sadd.s32 $0x2EE0, s0;
	[dreg:$0xb] =	wrdreg s11  }
0x16: {  	s23 =	simm.s32 $0x4;
	s13 =	sadd.s32 $0x36B0, s0;
	[dreg:$0xc] =	wrdreg s12  }
0x17: {  	s25 =	simm.s32 $0x580;
	s14 =	sadd.s32 $0x3E80, s0;
	[dreg:$0xd] =	wrdreg s13  }
0x18: {  	s26 =	simm.s32 $0x600;
	s15 =	sadd.s32 $0x4650, s0;
	[dreg:$0xe] =	wrdreg s14  }
0x19: {  	s24 =	simm.s32 $0x680;
	s17 =	sadd.s32 $0x4E20, s0;
	[dreg:$0xf] =	wrdreg s15  }
0x1a: {  	s5 =	ssub.s32 s5, s20;
	s18 =	sadd.s32 $0x55F0, s0;
	[dreg:$0x10] =	wrdreg s17  }
0x1b: {  	s20 =	simm.s32 $0x6;
	s19 =	sadd.s32 $0x5DC0, s0;
	[dreg:$0x11] =	wrdreg s18  }
0x1c: {  	s3 =	sshrl.u32 @!p0 s1, $0x3;
	s21 =	sadd.s32 $0x6590, s0;
	[dreg:$0x12] =	wrdreg s19  }
0x1d: {  	s6 =	simm.s32 $0x8;
	s0 =	sadd.s32 $0x6D60, s0;
	[dreg:$0x13] =	wrdreg s21  }
0x1e: {  	s16 =	simm.s32 $0xA;
	s22 =	simm.s32 $0x480;
	[dreg:$0x14] =	wrdreg s0  }
0x1f: {  	s0 =	smax.u32 s5, $0x1;
	s9 =	simm.s32 $0x780;
	s7 =	simm.s32 $0x4600  }
0x20: {  	s19 =	simm.s32 $0xC300;
	[dreg:$0x1e] =	wrdreg s22;
	s22 =	sadd.s32 $0xFFFFFFFF, s0  }
0x21: {  	s15 =	simm.s32 $0x10180;
	s14 =	simm.s32 $0x14000;
	p2 =	sne.s32 s22, $0x0  }
.Ltmp0:
0x22: {  	s12 =	simm.s32 $0x1;
	s10 =	simm.s32 $0x7D;
	(pc) =	sbr.rel @!p2 .LBB2_1-.Ltmp0, $4  }
0x23: {  	s13 =	simm.s32 $0x2;
	s11 =	simm.s32 $0x3;
	s17 =	simm.s32 $0x380  }
0x24: {  	s5 =	simm.s32 $0x7;
	s18 =	simm.s32 $0x400;
	[dreg:$0x1c] =	wrdreg s17  }
0x25: {  	s21 =	simm.s32 $0x5;
	s8 =	simm.s32 $0x9;
	[dreg:$0x1d] =	wrdreg s18  }
0x26: {  	s17 =	simm.s32 $0xB;
	s18 =	simm.s32 $0xC;
	s0 =	rddreg [dreg:$0x4]  }
0x27: {  	s30 =	simm.s32 @!p0 $0x1C0D;
	s29 =	simm.s32 @!p0 $0xD  }
0x28: {  	[spmem:s3], [sflag:s30] =	dma.local @!p0 [hbm:s0], $0x2000  }
0x29: {  	_ =	swait.ge @!p0 [sflag:s29], $0x2000  }
0x2a: {  	[sflag:s29] =	ssyncset.done @!p0 $0x0  }
0x2b: {  	s0 =	rddreg [dreg:$0x5];
	[sflag:s29] =	ssyncadd.s32 @!p0 $0xFFFFE000  }
0x2c: {  	[tilespmem:s2], [sflag:$0xD] =	stream.linear.gather [hbm4b:s0+s2], $0x780, $0x38;
	[tilespmem:$0x18E80] =	vst v63  }
0x2d: {  	_ =	swait.ge [sflag:s28], $0x780  }
0x2e: {  	[sflag:s28] =	ssyncset.done $0x0  }
0x2f: {  	s0 =	rddreg [dreg:$0x6];
	[sflag:s28] =	ssyncadd.s32 $0xFFFFF880  }
0x30: {  	[tilespmem:s9], [sflag:$0x1] =	stream.linear.gather [hbm4b:s0+s2], $0x3E80, $0x38;
	[tilespmem:$0x18E80] =	vst v63  }
0x31: {  	s31 =	rddreg [dreg:$0x7]  }
0x32: {  	[tilespmem:s7], [sflag:$0x2] =	stream.linear.gather [hbm4b:s31+s2], $0x3E80, $0x38;
	[tilespmem:$0x18E80] =	vst v63  }
0x33: {  	s0 =	rddreg [dreg:$0x8]  }
0x34: {  	[tilespmem:s4], [sflag:$0x3] =	stream.linear.gather [hbm4b:s0+s2], $0x3E80, $0x38;
	[tilespmem:$0x18E80] =	vst v63  }
0x35: {  	s31 =	rddreg [dreg:$0x9]  }
0x36: {  	[tilespmem:s19], [sflag:$0x4] =	stream.linear.gather [hbm4b:s31+s2], $0x3E80, $0x38;
	[tilespmem:$0x18E80] =	vst v63  }
0x37: {  	s0 =	rddreg [dreg:$0xa]  }
0x38: {  	[tilespmem:s15], [sflag:$0x5] =	stream.linear.gather [hbm4b:s0+s2], $0x3E80, $0x38;
	[tilespmem:$0x18E80] =	vst v63  }
0x39: {  	s31 =	rddreg [dreg:$0xb]  }
0x3a: {  	[tilespmem:s14], [sflag:$0x6] =	stream.linear.gather [hbm4b:s31+s2], $0x3E80, $0x38;
	[tilespmem:$0x18E80] =	vst v63  }
0x3b: {  	[bflag:$0x0] =	sbarrier.arrive $0xFFFF  }
0x3c: {  	_ =	swait.ge [sflag:s12], $0x3E80  }
0x3d: {  	[sflag:s12] =	ssyncset.done $0x0  }
0x3e: {  	[sflag:s12] =	ssyncadd.s32 $0xFFFFC180  }
0x3f: {  	[spmem:s1] =	stream.indirect.scatter.add.f32 [tilespmem:s9], [sflag:$0x7], $0x80, s2, s10, $0xb8;
	[tilespmem:$0x18E80] =	vst v63  }
0x40: {  	_ =	swait.ge [sflag:s13], $0x3E80  }
0x41: {  	[sflag:s13] =	ssyncset.done $0x0  }
0x42: {  	s0 =	rddreg [dreg:$0x16];
	[sflag:s13] =	ssyncadd.s32 $0xFFFFC180  }
0x43: {  	[spmem:s1] =	stream.indirect.scatter.add.f32 [tilespmem:s7], [sflag:$0x8], $0x80, s0, s10, $0xb8;
	[tilespmem:$0x18E80] =	vst v63  }
0x44: {  	_ =	swait.ge [sflag:s11], $0x3E80  }
0x45: {  	[sflag:s11] =	ssyncset.done $0x0  }
0x46: {  	s0 =	rddreg [dreg:$0x17];
	[sflag:s11] =	ssyncadd.s32 $0xFFFFC180  }
0x47: {  	[spmem:s1] =	stream.indirect.scatter.add.f32 [tilespmem:s4], [sflag:$0x9], $0x80, s0, s10, $0xb8;
	[tilespmem:$0x18E80] =	vst v63  }
0x48: {  	_ =	swait.ge [sflag:s5], $0x3E80  }
0x49: {  	[sflag:s5] =	ssyncset.done $0x0  }
0x4a: {  	s0 =	rddreg [dreg:$0xc];
	[sflag:s5] =	ssyncadd.s32 $0xFFFFC180  }
0x4b: {  	[tilespmem:s9], [sflag:$0x1] =	stream.linear.gather [hbm4b:s0+s2], $0x3E80, $0x38;
	[tilespmem:$0x18E80] =	vst v63  }
0x4c: {  	_ =	swait.ge [sflag:s23], $0x3E80  }
0x4d: {  	[sflag:s23] =	ssyncset.done $0x0  }
0x4e: {  	s0 =	rddreg [dreg:$0x18];
	[sflag:s23] =	ssyncadd.s32 $0xFFFFC180  }
0x4f: {  	[spmem:s1] =	stream.indirect.scatter.add.f32 [tilespmem:s19], [sflag:$0xA], $0x80, s0, s10, $0xb8;
	[tilespmem:$0x18E80] =	vst v63  }
0x50: {  	_ =	swait.ge [sflag:s6], $0x3E80  }
0x51: {  	[sflag:s6] =	ssyncset.done $0x0  }
0x52: {  	s0 =	rddreg [dreg:$0xd];
	[sflag:s6] =	ssyncadd.s32 $0xFFFFC180  }
0x53: {  	[tilespmem:s7], [sflag:$0x2] =	stream.linear.gather [hbm4b:s0+s2], $0x3E80, $0x38;
	[tilespmem:$0x18E80] =	vst v63  }
0x54: {  	_ =	swait.ge [sflag:s21], $0x3E80  }
0x55: {  	[sflag:s21] =	ssyncset.done $0x0  }
0x56: {  	s0 =	rddreg [dreg:$0x19];
	[sflag:s21] =	ssyncadd.s32 $0xFFFFC180  }
0x57: {  	[spmem:s1] =	stream.indirect.scatter.add.f32 [tilespmem:s15], [sflag:$0xB], $0x80, s0, s10, $0xb8;
	[tilespmem:$0x18E80] =	vst v63  }
0x58: {  	_ =	swait.ge [sflag:s8], $0x3E80  }
0x59: {  	[sflag:s8] =	ssyncset.done $0x0  }
0x5a: {  	s0 =	rddreg [dreg:$0xe];
	[sflag:s8] =	ssyncadd.s32 $0xFFFFC180  }
0x5b: {  	[tilespmem:s4], [sflag:$0x3] =	stream.linear.gather [hbm4b:s0+s2], $0x3E80, $0x38;
	[tilespmem:$0x18E80] =	vst v63  }
0x5c: {  	_ =	swait.ge [sflag:s20], $0x3E80  }
0x5d: {  	[sflag:s20] =	ssyncset.done $0x0  }
0x5e: {  	s0 =	rddreg [dreg:$0x1a];
	[sflag:s20] =	ssyncadd.s32 $0xFFFFC180  }
0x5f: {  	[spmem:s1] =	stream.indirect.scatter.add.f32 [tilespmem:s14], [sflag:$0xC], $0x80, s0, s10, $0xb8;
	[tilespmem:$0x18E80] =	vst v63  }
0x60: {  	_ =	swait.ge [sflag:s16], $0x3E80  }
0x61: {  	[sflag:s16] =	ssyncset.done $0x0  }
0x62: {  	s0 =	rddreg [dreg:$0xf];
	[sflag:s16] =	ssyncadd.s32 $0xFFFFC180  }
0x63: {  	[tilespmem:s19], [sflag:$0x4] =	stream.linear.gather [hbm4b:s0+s2], $0x3E80, $0x38;
	[tilespmem:$0x18E80] =	vst v63  }
0x64: {  	_ =	swait.ge [sflag:s12], $0x3E80  }
0x65: {  	[sflag:s12] =	ssyncset.done $0x0  }
0x66: {  	s0 =	rddreg [dreg:$0x1b];
	[sflag:s12] =	ssyncadd.s32 $0xFFFFC180  }
0x67: {  	[spmem:s1] =	stream.indirect.scatter.add.f32 [tilespmem:s9], [sflag:$0x7], $0x80, s0, s10, $0xb8;
	[tilespmem:$0x18E80] =	vst v63  }
0x68: {  	_ =	swait.ge [sflag:s17], $0x3E80  }
0x69: {  	[sflag:s17] =	ssyncset.done $0x0  }
0x6a: {  	s0 =	rddreg [dreg:$0x10];
	[sflag:s17] =	ssyncadd.s32 $0xFFFFC180  }
0x6b: {  	[tilespmem:s15], [sflag:$0x5] =	stream.linear.gather [hbm4b:s0+s2], $0x3E80, $0x38;
	[tilespmem:$0x18E80] =	vst v63  }
0x6c: {  	_ =	swait.ge [sflag:s13], $0x3E80  }
0x6d: {  	[sflag:s13] =	ssyncset.done $0x0  }
0x6e: {  	s0 =	rddreg [dreg:$0x1c];
	[sflag:s13] =	ssyncadd.s32 $0xFFFFC180  }
0x6f: {  	[spmem:s1] =	stream.indirect.scatter.add.f32 [tilespmem:s7], [sflag:$0x8], $0x80, s0, s10, $0xb8;
	[tilespmem:$0x18E80] =	vst v63  }
0x70: {  	_ =	swait.ge [sflag:s18], $0x3E80  }
0x71: {  	[sflag:s18] =	ssyncset.done $0x0  }
0x72: {  	s0 =	rddreg [dreg:$0x11];
	[sflag:s18] =	ssyncadd.s32 $0xFFFFC180  }
0x73: {  	[tilespmem:s14], [sflag:$0x6] =	stream.linear.gather [hbm4b:s0+s2], $0x3E80, $0x38;
	[tilespmem:$0x18E80] =	vst v63  }
0x74: {  	_ =	swait.ge [sflag:s11], $0x3E80  }
0x75: {  	[sflag:s11] =	ssyncset.done $0x0  }
0x76: {  	s0 =	rddreg [dreg:$0x1d];
	[sflag:s11] =	ssyncadd.s32 $0xFFFFC180  }
0x77: {  	[spmem:s1] =	stream.indirect.scatter.add.f32 [tilespmem:s4], [sflag:$0x9], $0x80, s0, s10, $0xb8;
	[tilespmem:$0x18E80] =	vst v63  }
0x78: {  	_ =	swait.ge [sflag:s5], $0x3E80  }
0x79: {  	[sflag:s5] =	ssyncset.done $0x0  }
0x7a: {  	s0 =	rddreg [dreg:$0x12];
	[sflag:s5] =	ssyncadd.s32 $0xFFFFC180  }
0x7b: {  	[tilespmem:s9], [sflag:$0x1] =	stream.linear.gather [hbm4b:s0+s2], $0x3E80, $0x38;
	[tilespmem:$0x18E80] =	vst v63  }
0x7c: {  	_ =	swait.ge [sflag:s23], $0x3E80  }
0x7d: {  	[sflag:s23] =	ssyncset.done $0x0  }
0x7e: {  	s0 =	rddreg [dreg:$0x1e];
	[sflag:s23] =	ssyncadd.s32 $0xFFFFC180  }
0x7f: {  	[spmem:s1] =	stream.indirect.scatter.add.f32 [tilespmem:s19], [sflag:$0xA], $0x80, s0, s10, $0xb8;
	[tilespmem:$0x18E80] =	vst v63  }
0x80: {  	_ =	swait.ge [sflag:s6], $0x3E80  }
0x81: {  	[sflag:s6] =	ssyncset.done $0x0  }
0x82: {  	s0 =	rddreg [dreg:$0x13];
	[sflag:s6] =	ssyncadd.s32 $0xFFFFC180  }
0x83: {  	[tilespmem:s7], [sflag:$0x2] =	stream.linear.gather [hbm4b:s0+s2], $0x3E80, $0x38;
	[tilespmem:$0x18E80] =	vst v63  }
0x84: {  	_ =	swait.ge [sflag:s21], $0x3E80  }
0x85: {  	[sflag:s21] =	ssyncset.done $0x0  }
0x86: {  	s0 =	rddreg [dreg:$0x1f];
	[sflag:s21] =	ssyncadd.s32 $0xFFFFC180  }
0x87: {  	[spmem:s1] =	stream.indirect.scatter.add.f32 [tilespmem:s15], [sflag:$0xB], $0x80, s0, s10, $0xb8;
	[tilespmem:$0x18E80] =	vst v63  }
0x88: {  	_ =	swait.ge [sflag:s8], $0x3E80  }
0x89: {  	[sflag:s8] =	ssyncset.done $0x0  }
0x8a: {  	s0 =	rddreg [dreg:$0x14];
	[sflag:s8] =	ssyncadd.s32 $0xFFFFC180  }
0x8b: {  	[tilespmem:s4], [sflag:$0x3] =	stream.linear.gather [hbm4b:s0+s2], $0x3E80, $0x38;
	[tilespmem:$0x18E80] =	vst v63  }
0x8c: {  	_ =	swait.ge [sflag:s20], $0x3E80  }
0x8d: {  	[sflag:s20] =	ssyncset.done $0x0  }
0x8e: {  	[sflag:s20] =	ssyncadd.s32 $0xFFFFC180  }
0x8f: {  	[spmem:s1] =	stream.indirect.scatter.add.f32 [tilespmem:s14], [sflag:$0xC], $0x80, s25, s10, $0xb8;
	[tilespmem:$0x18E80] =	vst v63  }
0x90: {  	_ =	swait.ge [sflag:s12], $0x3E80  }
0x91: {  	[sflag:s12] =	ssyncset.done $0x0  }
0x92: {  	[sflag:s12] =	ssyncadd.s32 $0xFFFFC180  }
0x93: {  	[spmem:s1] =	stream.indirect.scatter.add.f32 [tilespmem:s9], [sflag:$0x7], $0x80, s26, s10, $0xb8;
	[tilespmem:$0x18E80] =	vst v63  }
0x94: {  	_ =	swait.ge [sflag:s13], $0x3E80  }
0x95: {  	[sflag:s13] =	ssyncset.done $0x0  }
0x96: {  	[sflag:s13] =	ssyncadd.s32 $0xFFFFC180  }
0x97: {  	[spmem:s1] =	stream.indirect.scatter.add.f32 [tilespmem:s7], [sflag:$0x8], $0x80, s24, s10, $0xb8;
	[tilespmem:$0x18E80] =	vst v63  }
0x98: {  	_ =	swait.ge [sflag:s11], $0x3E80  }
0x99: {  	[sflag:s11] =	ssyncset.done $0x0  }
0x9a: {  	s0 =	simm.s32 $0x700;
	[sflag:s11] =	ssyncadd.s32 $0xFFFFC180  }
0x9b: {  	[spmem:s1] =	stream.indirect.scatter.add.f32 [tilespmem:s4], [sflag:$0x9], $0x80, s0, s10, $0xb8;
	[tilespmem:$0x18E80] =	vst v63  }
0x9c: {  	_ =	swait.ge [sflag:s16], $0x3E80  }
0x9d: {  	[sflag:s16] =	ssyncset.done $0x0  }
0x9e: {  	[sflag:s16] =	ssyncadd.s32 $0xFFFFC180  }
0x9f: {  	_ =	swait.ge [sflag:s17], $0x3E80  }
0xa0: {  	[sflag:s17] =	ssyncset.done $0x0  }
0xa1: {  	[sflag:s17] =	ssyncadd.s32 $0xFFFFC180  }
0xa2: {  	_ =	swait.ge [sflag:s18], $0x3E80  }
0xa3: {  	[sflag:s18] =	ssyncset.done $0x0  }
0xa4: {  	[sflag:s18] =	ssyncadd.s32 $0xFFFFC180  }
0xa5: {  	_ =	swait.ge [sflag:s5], $0x3E80  }
0xa6: {  	[sflag:s5] =	ssyncset.done $0x0  }
0xa7: {  	[sflag:s5] =	ssyncadd.s32 $0xFFFFC180  }
0xa8: {  	_ =	swait.ge [sflag:s6], $0x3E80  }
0xa9: {  	[sflag:s6] =	ssyncset.done $0x0  }
0xaa: {  	[sflag:s6] =	ssyncadd.s32 $0xFFFFC180  }
0xab: {  	_ =	swait.ge [sflag:s8], $0x3E80  }
0xac: {  	s31 =	sadd.s32 $0xFFFFFFFF, s22;
	[sflag:s8] =	ssyncset.done $0x0  }
0xad: {  	p2 =	sne.s32 s31, $0x0;
	[sflag:s8] =	ssyncadd.s32 $0xFFFFC180  }
.Ltmp1:
0xae: {  	[bflag:$0x0] =	sbarrier.arrive $0xFFFF;
	(pc) =	sbr.rel @!p2 .LBB2_3-.Ltmp1, $4  }
0xaf: {  	s0 =	rddreg [dreg:$0x15]  }
0xb0: {  	[hbm:s0], [sflag:s30] =	dma.local @!p0 [spmem:s3], $0x2000  }
0xb1: {  	_ =	swait.ge @!p0 [sflag:s29], $0x2000  }
0xb2: {  	p1 =	por $0x1, $0x1;
	s0 =	rddreg [dreg:$0x4];
	[sflag:s29] =	ssyncset.done @!p0 $0x0  }
.LBB2_4:
0xb3: {  	[sflag:s29] =	ssyncadd.s32 @!p0 $0xFFFFE000  }
0xb4: {  	[spmem:s3], [sflag:s30] =	dma.local @!p0 [hbm:s0], $0x2000  }
0xb5: {  	_ =	swait.ge @!p0 [sflag:s29], $0x2000  }
0xb6: {  	[sflag:s29] =	ssyncset.done @!p0 $0x0  }
0xb7: {  	s22 =	rddreg [dreg:$0x5];
	[sflag:s29] =	ssyncadd.s32 @!p0 $0xFFFFE000  }
0xb8: {  	[tilespmem:s2], [sflag:$0xD] =	stream.linear.gather [hbm4b:s22+s2], $0x780, $0x38;
	[tilespmem:$0x18E80] =	vst v63  }
0xb9: {  	_ =	swait.ge [sflag:s28], $0x780  }
0xba: {  	[sflag:s28] =	ssyncset.done $0x0  }
0xbb: {  	s0 =	rddreg [dreg:$0x6];
	[sflag:s28] =	ssyncadd.s32 $0xFFFFF880  }
0xbc: {  	[tilespmem:s9], [sflag:$0x1] =	stream.linear.gather [hbm4b:s0+s2], $0x3E80, $0x38;
	[tilespmem:$0x18E80] =	vst v63  }
0xbd: {  	s22 =	rddreg [dreg:$0x7]  }
0xbe: {  	[tilespmem:s7], [sflag:$0x2] =	stream.linear.gather [hbm4b:s22+s2], $0x3E80, $0x38;
	[tilespmem:$0x18E80] =	vst v63  }
0xbf: {  	s0 =	rddreg [dreg:$0x8]  }
0xc0: {  	[tilespmem:s4], [sflag:$0x3] =	stream.linear.gather [hbm4b:s0+s2], $0x3E80, $0x38;
	[tilespmem:$0x18E80] =	vst v63  }
0xc1: {  	s22 =	rddreg [dreg:$0x9]  }
0xc2: {  	[tilespmem:s19], [sflag:$0x4] =	stream.linear.gather [hbm4b:s22+s2], $0x3E80, $0x38;
	[tilespmem:$0x18E80] =	vst v63  }
0xc3: {  	s0 =	rddreg [dreg:$0xa]  }
0xc4: {  	[tilespmem:s15], [sflag:$0x5] =	stream.linear.gather [hbm4b:s0+s2], $0x3E80, $0x38;
	[tilespmem:$0x18E80] =	vst v63  }
0xc5: {  	s22 =	rddreg [dreg:$0xb]  }
0xc6: {  	[tilespmem:s14], [sflag:$0x6] =	stream.linear.gather [hbm4b:s22+s2], $0x3E80, $0x38;
	[tilespmem:$0x18E80] =	vst v63  }
0xc7: {  	[bflag:$0x0] =	sbarrier.arrive $0xFFFF  }
0xc8: {  	_ =	swait.ge [sflag:s12], $0x3E80  }
0xc9: {  	[sflag:s12] =	ssyncset.done $0x0  }
0xca: {  	[sflag:s12] =	ssyncadd.s32 $0xFFFFC180  }
0xcb: {  	[spmem:s1] =	stream.indirect.scatter.add.f32 [tilespmem:s9], [sflag:$0x7], $0x80, s2, s10, $0xb8;
	[tilespmem:$0x18E80] =	vst v63  }
0xcc: {  	_ =	swait.ge [sflag:s13], $0x3E80  }
0xcd: {  	[sflag:s13] =	ssyncset.done $0x0  }
0xce: {  	s0 =	rddreg [dreg:$0x16];
	[sflag:s13] =	ssyncadd.s32 $0xFFFFC180  }
0xcf: {  	[spmem:s1] =	stream.indirect.scatter.add.f32 [tilespmem:s7], [sflag:$0x8], $0x80, s0, s10, $0xb8;
	[tilespmem:$0x18E80] =	vst v63  }
0xd0: {  	_ =	swait.ge [sflag:s11], $0x3E80  }
0xd1: {  	[sflag:s11] =	ssyncset.done $0x0  }
0xd2: {  	s0 =	rddreg [dreg:$0x17];
	[sflag:s11] =	ssyncadd.s32 $0xFFFFC180  }
0xd3: {  	[spmem:s1] =	stream.indirect.scatter.add.f32 [tilespmem:s4], [sflag:$0x9], $0x80, s0, s10, $0xb8;
	[tilespmem:$0x18E80] =	vst v63  }
0xd4: {  	_ =	swait.ge [sflag:s5], $0x3E80  }
0xd5: {  	[sflag:s5] =	ssyncset.done $0x0  }
0xd6: {  	s0 =	rddreg [dreg:$0xc];
	[sflag:s5] =	ssyncadd.s32 $0xFFFFC180  }
0xd7: {  	[tilespmem:s9], [sflag:$0x1] =	stream.linear.gather [hbm4b:s0+s2], $0x3E80, $0x38;
	[tilespmem:$0x18E80] =	vst v63  }
0xd8: {  	_ =	swait.ge [sflag:s23], $0x3E80  }
0xd9: {  	[sflag:s23] =	ssyncset.done $0x0  }
0xda: {  	s0 =	rddreg [dreg:$0x18];
	[sflag:s23] =	ssyncadd.s32 $0xFFFFC180  }
0xdb: {  	[spmem:s1] =	stream.indirect.scatter.add.f32 [tilespmem:s19], [sflag:$0xA], $0x80, s0, s10, $0xb8;
	[tilespmem:$0x18E80] =	vst v63  }
0xdc: {  	_ =	swait.ge [sflag:s6], $0x3E80  }
0xdd: {  	[sflag:s6] =	ssyncset.done $0x0  }
0xde: {  	s0 =	rddreg [dreg:$0xd];
	[sflag:s6] =	ssyncadd.s32 $0xFFFFC180  }
0xdf: {  	[tilespmem:s7], [sflag:$0x2] =	stream.linear.gather [hbm4b:s0+s2], $0x3E80, $0x38;
	[tilespmem:$0x18E80] =	vst v63  }
0xe0: {  	_ =	swait.ge [sflag:s21], $0x3E80  }
0xe1: {  	[sflag:s21] =	ssyncset.done $0x0  }
0xe2: {  	s0 =	rddreg [dreg:$0x19];
	[sflag:s21] =	ssyncadd.s32 $0xFFFFC180  }
0xe3: {  	[spmem:s1] =	stream.indirect.scatter.add.f32 [tilespmem:s15], [sflag:$0xB], $0x80, s0, s10, $0xb8;
	[tilespmem:$0x18E80] =	vst v63  }
0xe4: {  	_ =	swait.ge [sflag:s8], $0x3E80  }
0xe5: {  	[sflag:s8] =	ssyncset.done $0x0  }
0xe6: {  	s0 =	rddreg [dreg:$0xe];
	[sflag:s8] =	ssyncadd.s32 $0xFFFFC180  }
0xe7: {  	[tilespmem:s4], [sflag:$0x3] =	stream.linear.gather [hbm4b:s0+s2], $0x3E80, $0x38;
	[tilespmem:$0x18E80] =	vst v63  }
0xe8: {  	_ =	swait.ge [sflag:s20], $0x3E80  }
0xe9: {  	[sflag:s20] =	ssyncset.done $0x0  }
0xea: {  	s0 =	rddreg [dreg:$0x1a];
	[sflag:s20] =	ssyncadd.s32 $0xFFFFC180  }
0xeb: {  	[spmem:s1] =	stream.indirect.scatter.add.f32 [tilespmem:s14], [sflag:$0xC], $0x80, s0, s10, $0xb8;
	[tilespmem:$0x18E80] =	vst v63  }
0xec: {  	_ =	swait.ge [sflag:s16], $0x3E80  }
0xed: {  	[sflag:s16] =	ssyncset.done $0x0  }
0xee: {  	s0 =	rddreg [dreg:$0xf];
	[sflag:s16] =	ssyncadd.s32 $0xFFFFC180  }
0xef: {  	[tilespmem:s19], [sflag:$0x4] =	stream.linear.gather [hbm4b:s0+s2], $0x3E80, $0x38;
	[tilespmem:$0x18E80] =	vst v63  }
0xf0: {  	_ =	swait.ge [sflag:s12], $0x3E80  }
0xf1: {  	[sflag:s12] =	ssyncset.done $0x0  }
0xf2: {  	s0 =	rddreg [dreg:$0x1b];
	[sflag:s12] =	ssyncadd.s32 $0xFFFFC180  }
0xf3: {  	[spmem:s1] =	stream.indirect.scatter.add.f32 [tilespmem:s9], [sflag:$0x7], $0x80, s0, s10, $0xb8;
	[tilespmem:$0x18E80] =	vst v63  }
0xf4: {  	_ =	swait.ge [sflag:s17], $0x3E80  }
0xf5: {  	[sflag:s17] =	ssyncset.done $0x0  }
0xf6: {  	s0 =	rddreg [dreg:$0x10];
	[sflag:s17] =	ssyncadd.s32 $0xFFFFC180  }
0xf7: {  	[tilespmem:s15], [sflag:$0x5] =	stream.linear.gather [hbm4b:s0+s2], $0x3E80, $0x38;
	[tilespmem:$0x18E80] =	vst v63  }
0xf8: {  	_ =	swait.ge [sflag:s13], $0x3E80  }
0xf9: {  	[sflag:s13] =	ssyncset.done $0x0  }
0xfa: {  	s0 =	rddreg [dreg:$0x1c];
	[sflag:s13] =	ssyncadd.s32 $0xFFFFC180  }
0xfb: {  	[spmem:s1] =	stream.indirect.scatter.add.f32 [tilespmem:s7], [sflag:$0x8], $0x80, s0, s10, $0xb8;
	[tilespmem:$0x18E80] =	vst v63  }
0xfc: {  	_ =	swait.ge [sflag:s18], $0x3E80  }
0xfd: {  	[sflag:s18] =	ssyncset.done $0x0  }
0xfe: {  	s0 =	rddreg [dreg:$0x11];
	[sflag:s18] =	ssyncadd.s32 $0xFFFFC180  }
0xff: {  	[tilespmem:s14], [sflag:$0x6] =	stream.linear.gather [hbm4b:s0+s2], $0x3E80, $0x38;
	[tilespmem:$0x18E80] =	vst v63  }
0x100: {  	_ =	swait.ge [sflag:s11], $0x3E80  }
0x101: {  	[sflag:s11] =	ssyncset.done $0x0  }
0x102: {  	s0 =	rddreg [dreg:$0x1d];
	[sflag:s11] =	ssyncadd.s32 $0xFFFFC180  }
0x103: {  	[spmem:s1] =	stream.indirect.scatter.add.f32 [tilespmem:s4], [sflag:$0x9], $0x80, s0, s10, $0xb8;
	[tilespmem:$0x18E80] =	vst v63  }
0x104: {  	_ =	swait.ge [sflag:s5], $0x3E80  }
0x105: {  	[sflag:s5] =	ssyncset.done $0x0  }
0x106: {  	s0 =	rddreg [dreg:$0x12];
	[sflag:s5] =	ssyncadd.s32 $0xFFFFC180  }
0x107: {  	[tilespmem:s9], [sflag:$0x1] =	stream.linear.gather [hbm4b:s0+s2], $0x3E80, $0x38;
	[tilespmem:$0x18E80] =	vst v63  }
0x108: {  	_ =	swait.ge [sflag:s23], $0x3E80  }
0x109: {  	[sflag:s23] =	ssyncset.done $0x0  }
0x10a: {  	s0 =	rddreg [dreg:$0x1e];
	[sflag:s23] =	ssyncadd.s32 $0xFFFFC180  }
0x10b: {  	[spmem:s1] =	stream.indirect.scatter.add.f32 [tilespmem:s19], [sflag:$0xA], $0x80, s0, s10, $0xb8;
	[tilespmem:$0x18E80] =	vst v63  }
0x10c: {  	_ =	swait.ge [sflag:s6], $0x3E80  }
0x10d: {  	[sflag:s6] =	ssyncset.done $0x0  }
0x10e: {  	s0 =	rddreg [dreg:$0x13];
	[sflag:s6] =	ssyncadd.s32 $0xFFFFC180  }
0x10f: {  	[tilespmem:s7], [sflag:$0x2] =	stream.linear.gather [hbm4b:s0+s2], $0x3E80, $0x38;
	[tilespmem:$0x18E80] =	vst v63  }
0x110: {  	_ =	swait.ge [sflag:s21], $0x3E80  }
0x111: {  	[sflag:s21] =	ssyncset.done $0x0  }
0x112: {  	s0 =	rddreg [dreg:$0x1f];
	[sflag:s21] =	ssyncadd.s32 $0xFFFFC180  }
0x113: {  	[spmem:s1] =	stream.indirect.scatter.add.f32 [tilespmem:s15], [sflag:$0xB], $0x80, s0, s10, $0xb8;
	[tilespmem:$0x18E80] =	vst v63  }
0x114: {  	_ =	swait.ge [sflag:s8], $0x3E80  }
0x115: {  	[sflag:s8] =	ssyncset.done $0x0  }
0x116: {  	s0 =	rddreg [dreg:$0x14];
	[sflag:s8] =	ssyncadd.s32 $0xFFFFC180  }
0x117: {  	[tilespmem:s4], [sflag:$0x3] =	stream.linear.gather [hbm4b:s0+s2], $0x3E80, $0x38;
	[tilespmem:$0x18E80] =	vst v63  }
0x118: {  	_ =	swait.ge [sflag:s20], $0x3E80  }
0x119: {  	[sflag:s20] =	ssyncset.done $0x0  }
0x11a: {  	[sflag:s20] =	ssyncadd.s32 $0xFFFFC180  }
0x11b: {  	[spmem:s1] =	stream.indirect.scatter.add.f32 [tilespmem:s14], [sflag:$0xC], $0x80, s25, s10, $0xb8;
	[tilespmem:$0x18E80] =	vst v63  }
0x11c: {  	_ =	swait.ge [sflag:s12], $0x3E80  }
0x11d: {  	[sflag:s12] =	ssyncset.done $0x0  }
0x11e: {  	[sflag:s12] =	ssyncadd.s32 $0xFFFFC180  }
0x11f: {  	[spmem:s1] =	stream.indirect.scatter.add.f32 [tilespmem:s9], [sflag:$0x7], $0x80, s26, s10, $0xb8;
	[tilespmem:$0x18E80] =	vst v63  }
0x120: {  	_ =	swait.ge [sflag:s13], $0x3E80  }
0x121: {  	[sflag:s13] =	ssyncset.done $0x0  }
0x122: {  	[sflag:s13] =	ssyncadd.s32 $0xFFFFC180  }
0x123: {  	[spmem:s1] =	stream.indirect.scatter.add.f32 [tilespmem:s7], [sflag:$0x8], $0x80, s24, s10, $0xb8;
	[tilespmem:$0x18E80] =	vst v63  }
0x124: {  	_ =	swait.ge [sflag:s11], $0x3E80  }
0x125: {  	[sflag:s11] =	ssyncset.done $0x0  }
0x126: {  	s22 =	simm.s32 $0x700;
	[sflag:s11] =	ssyncadd.s32 $0xFFFFC180  }
0x127: {  	[spmem:s1] =	stream.indirect.scatter.add.f32 [tilespmem:s4], [sflag:$0x9], $0x80, s22, s10, $0xb8;
	[tilespmem:$0x18E80] =	vst v63  }
0x128: {  	_ =	swait.ge [sflag:s16], $0x3E80  }
0x129: {  	[sflag:s16] =	ssyncset.done $0x0  }
0x12a: {  	[sflag:s16] =	ssyncadd.s32 $0xFFFFC180  }
0x12b: {  	_ =	swait.ge [sflag:s17], $0x3E80  }
0x12c: {  	[sflag:s17] =	ssyncset.done $0x0  }
0x12d: {  	[sflag:s17] =	ssyncadd.s32 $0xFFFFC180  }
0x12e: {  	_ =	swait.ge [sflag:s18], $0x3E80  }
0x12f: {  	[sflag:s18] =	ssyncset.done $0x0  }
0x130: {  	[sflag:s18] =	ssyncadd.s32 $0xFFFFC180  }
0x131: {  	_ =	swait.ge [sflag:s5], $0x3E80  }
0x132: {  	[sflag:s5] =	ssyncset.done $0x0  }
0x133: {  	[sflag:s5] =	ssyncadd.s32 $0xFFFFC180  }
0x134: {  	_ =	swait.ge [sflag:s6], $0x3E80  }
0x135: {  	[sflag:s6] =	ssyncset.done $0x0  }
0x136: {  	[sflag:s6] =	ssyncadd.s32 $0xFFFFC180  }
0x137: {  	_ =	swait.ge [sflag:s8], $0x3E80  }
0x138: {  	s31 =	sadd.s32 $0xFFFFFFFF, s31;
	[sflag:s8] =	ssyncset.done $0x0  }
0x139: {  	p2 =	sne.s32 s31, $0x0;
	[sflag:s8] =	ssyncadd.s32 $0xFFFFC180  }
.Ltmp2:
0x13a: {  	[bflag:$0x0] =	sbarrier.arrive $0xFFFF;
	(pc) =	sbr.rel @p2 .LBB2_4-.Ltmp2, $4  }
0x13b: {  	s0 =	rddreg [dreg:$0x15]  }
0x13c: {  	[hbm:s0], [sflag:s30] =	dma.local @!p0 [spmem:s3], $0x2000  }
0x13d: {  	_ =	swait.ge @!p0 [sflag:s29], $0x2000  }
0x13e: {  	s0 =	rddreg [dreg:$0x4];
	[sflag:s29] =	ssyncset.done @!p0 $0x0  }
0x13f: {  	s30 =	simm.s32 $0x700;
	s31 =	rddreg [dreg:$0x3]  }
.LBB2_6:
0x140: {  	p1 =	por p0, !p1  }
0x141: {  	s22 =	simm.s32 @!p0 $0x1C0D;
	[sflag:s29] =	ssyncadd.s32 @!p1 $0xFFFFE000;
	s29 =	simm.s32 @!p0 $0xD  }
0x142: {  	[spmem:s3], [sflag:s22] =	dma.local @!p0 [hbm:s0], $0x2000  }
0x143: {  	_ =	swait.ge @!p0 [sflag:s29], $0x2000  }
0x144: {  	[sflag:s29] =	ssyncset.done @!p0 $0x0  }
0x145: {  	s22 =	rddreg [dreg:$0x5];
	[sflag:s29] =	ssyncadd.s32 @!p0 $0xFFFFE000  }
0x146: {  	[tilespmem:s2], [sflag:$0xD] =	stream.linear.gather [hbm4b:s22+s2], $0x780, $0x38;
	[tilespmem:$0x18E80] =	vst v63  }
0x147: {  	_ =	swait.ge [sflag:s28], $0x780  }
0x148: {  	[sflag:s28] =	ssyncset.done $0x0  }
0x149: {  	s22 =	rddreg [dreg:$0x6];
	[sflag:s28] =	ssyncadd.s32 $0xFFFFF880  }
0x14a: {  	[tilespmem:s9], [sflag:$0x1] =	stream.linear.gather [hbm4b:s22+s2], $0x3E80, $0x38;
	[tilespmem:$0x18E80] =	vst v63  }
0x14b: {  	s28 =	rddreg [dreg:$0x7]  }
0x14c: {  	[tilespmem:s7], [sflag:$0x2] =	stream.linear.gather [hbm4b:s28+s2], $0x3E80, $0x38;
	[tilespmem:$0x18E80] =	vst v63  }
0x14d: {  	s0 =	rddreg [dreg:$0x8]  }
0x14e: {  	[tilespmem:s4], [sflag:$0x3] =	stream.linear.gather [hbm4b:s0+s2], $0x3E80, $0x38;
	[tilespmem:$0x18E80] =	vst v63  }
0x14f: {  	s28 =	rddreg [dreg:$0x9]  }
0x150: {  	[tilespmem:s19], [sflag:$0x4] =	stream.linear.gather [hbm4b:s28+s2], $0x3E80, $0x38;
	[tilespmem:$0x18E80] =	vst v63  }
0x151: {  	s0 =	rddreg [dreg:$0xa]  }
0x152: {  	[tilespmem:s15], [sflag:$0x5] =	stream.linear.gather [hbm4b:s0+s2], $0x3E80, $0x38;
	[tilespmem:$0x18E80] =	vst v63  }
0x153: {  	s28 =	rddreg [dreg:$0xb]  }
0x154: {  	[tilespmem:s14], [sflag:$0x6] =	stream.linear.gather [hbm4b:s28+s2], $0x3E80, $0x38;
	[tilespmem:$0x18E80] =	vst v63  }
0x155: {  	[bflag:$0x0] =	sbarrier.arrive $0xFFFF  }
0x156: {  	_ =	swait.ge [sflag:s12], $0x3E80  }
0x157: {  	[sflag:s12] =	ssyncset.done $0x0  }
0x158: {  	[sflag:s12] =	ssyncadd.s32 $0xFFFFC180  }
0x159: {  	[spmem:s1] =	stream.indirect.scatter.add.f32 [tilespmem:s9], [sflag:$0x7], $0x80, s2, s10, $0xb8;
	[tilespmem:$0x18E80] =	vst v63  }
0x15a: {  	_ =	swait.ge [sflag:s13], $0x3E80  }
0x15b: {  	[sflag:s13] =	ssyncset.done $0x0  }
0x15c: {  	s22 =	rddreg [dreg:$0x16];
	[sflag:s13] =	ssyncadd.s32 $0xFFFFC180  }
0x15d: {  	[spmem:s1] =	stream.indirect.scatter.add.f32 [tilespmem:s7], [sflag:$0x8], $0x80, s22, s10, $0xb8;
	[tilespmem:$0x18E80] =	vst v63  }
0x15e: {  	_ =	swait.ge [sflag:s11], $0x3E80  }
0x15f: {  	[sflag:s11] =	ssyncset.done $0x0  }
0x160: {  	s28 =	rddreg [dreg:$0x17];
	[sflag:s11] =	ssyncadd.s32 $0xFFFFC180  }
0x161: {  	[spmem:s1] =	stream.indirect.scatter.add.f32 [tilespmem:s4], [sflag:$0x9], $0x80, s28, s10, $0xb8;
	[tilespmem:$0x18E80] =	vst v63  }
0x162: {  	_ =	swait.ge [sflag:s5], $0x3E80  }
0x163: {  	[sflag:s5] =	ssyncset.done $0x0  }
0x164: {  	s22 =	rddreg [dreg:$0xc];
	[sflag:s5] =	ssyncadd.s32 $0xFFFFC180  }
0x165: {  	[tilespmem:s9], [sflag:$0x1] =	stream.linear.gather [hbm4b:s22+s2], $0x3E80, $0x38;
	[tilespmem:$0x18E80] =	vst v63  }
0x166: {  	_ =	swait.ge [sflag:s23], $0x3E80  }
0x167: {  	[sflag:s23] =	ssyncset.done $0x0  }
0x168: {  	s28 =	rddreg [dreg:$0x18];
	[sflag:s23] =	ssyncadd.s32 $0xFFFFC180  }
0x169: {  	[spmem:s1] =	stream.indirect.scatter.add.f32 [tilespmem:s19], [sflag:$0xA], $0x80, s28, s10, $0xb8;
	[tilespmem:$0x18E80] =	vst v63  }
0x16a: {  	_ =	swait.ge [sflag:s6], $0x3E80  }
0x16b: {  	[sflag:s6] =	ssyncset.done $0x0  }
0x16c: {  	s22 =	rddreg [dreg:$0xd];
	[sflag:s6] =	ssyncadd.s32 $0xFFFFC180  }
0x16d: {  	[tilespmem:s7], [sflag:$0x2] =	stream.linear.gather [hbm4b:s22+s2], $0x3E80, $0x38;
	[tilespmem:$0x18E80] =	vst v63  }
0x16e: {  	_ =	swait.ge [sflag:s21], $0x3E80  }
0x16f: {  	[sflag:s21] =	ssyncset.done $0x0  }
0x170: {  	s28 =	rddreg [dreg:$0x19];
	[sflag:s21] =	ssyncadd.s32 $0xFFFFC180  }
0x171: {  	[spmem:s1] =	stream.indirect.scatter.add.f32 [tilespmem:s15], [sflag:$0xB], $0x80, s28, s10, $0xb8;
	[tilespmem:$0x18E80] =	vst v63  }
0x172: {  	_ =	swait.ge [sflag:s8], $0x3E80  }
0x173: {  	[sflag:s8] =	ssyncset.done $0x0  }
0x174: {  	s22 =	rddreg [dreg:$0xe];
	[sflag:s8] =	ssyncadd.s32 $0xFFFFC180  }
0x175: {  	[tilespmem:s4], [sflag:$0x3] =	stream.linear.gather [hbm4b:s22+s2], $0x3E80, $0x38;
	[tilespmem:$0x18E80] =	vst v63  }
0x176: {  	_ =	swait.ge [sflag:s20], $0x3E80  }
0x177: {  	[sflag:s20] =	ssyncset.done $0x0  }
0x178: {  	s28 =	rddreg [dreg:$0x1a];
	[sflag:s20] =	ssyncadd.s32 $0xFFFFC180  }
0x179: {  	[spmem:s1] =	stream.indirect.scatter.add.f32 [tilespmem:s14], [sflag:$0xC], $0x80, s28, s10, $0xb8;
	[tilespmem:$0x18E80] =	vst v63  }
0x17a: {  	_ =	swait.ge [sflag:s16], $0x3E80  }
0x17b: {  	[sflag:s16] =	ssyncset.done $0x0  }
0x17c: {  	s22 =	rddreg [dreg:$0xf];
	[sflag:s16] =	ssyncadd.s32 $0xFFFFC180  }
0x17d: {  	[tilespmem:s19], [sflag:$0x4] =	stream.linear.gather [hbm4b:s22+s2], $0x3E80, $0x38;
	[tilespmem:$0x18E80] =	vst v63  }
0x17e: {  	_ =	swait.ge [sflag:s12], $0x3E80  }
0x17f: {  	[sflag:s12] =	ssyncset.done $0x0  }
0x180: {  	s28 =	rddreg [dreg:$0x1b];
	[sflag:s12] =	ssyncadd.s32 $0xFFFFC180  }
0x181: {  	[spmem:s1] =	stream.indirect.scatter.add.f32 [tilespmem:s9], [sflag:$0x7], $0x80, s28, s10, $0xb8;
	[tilespmem:$0x18E80] =	vst v63  }
0x182: {  	_ =	swait.ge [sflag:s17], $0x3E80  }
0x183: {  	[sflag:s17] =	ssyncset.done $0x0  }
0x184: {  	s22 =	rddreg [dreg:$0x10];
	[sflag:s17] =	ssyncadd.s32 $0xFFFFC180  }
0x185: {  	[tilespmem:s15], [sflag:$0x5] =	stream.linear.gather [hbm4b:s22+s2], $0x3E80, $0x38;
	[tilespmem:$0x18E80] =	vst v63  }
0x186: {  	_ =	swait.ge [sflag:s13], $0x3E80  }
0x187: {  	[sflag:s13] =	ssyncset.done $0x0  }
0x188: {  	s28 =	rddreg [dreg:$0x1c];
	[sflag:s13] =	ssyncadd.s32 $0xFFFFC180  }
0x189: {  	[spmem:s1] =	stream.indirect.scatter.add.f32 [tilespmem:s7], [sflag:$0x8], $0x80, s28, s10, $0xb8;
	[tilespmem:$0x18E80] =	vst v63  }
0x18a: {  	_ =	swait.ge [sflag:s18], $0x3E80  }
0x18b: {  	[sflag:s18] =	ssyncset.done $0x0  }
0x18c: {  	s22 =	rddreg [dreg:$0x11];
	[sflag:s18] =	ssyncadd.s32 $0xFFFFC180  }
0x18d: {  	[tilespmem:s14], [sflag:$0x6] =	stream.linear.gather [hbm4b:s22+s2], $0x3E80, $0x38;
	[tilespmem:$0x18E80] =	vst v63  }
0x18e: {  	_ =	swait.ge [sflag:s11], $0x3E80  }
0x18f: {  	[sflag:s11] =	ssyncset.done $0x0  }
0x190: {  	s28 =	rddreg [dreg:$0x1d];
	[sflag:s11] =	ssyncadd.s32 $0xFFFFC180  }
0x191: {  	[spmem:s1] =	stream.indirect.scatter.add.f32 [tilespmem:s4], [sflag:$0x9], $0x80, s28, s10, $0xb8;
	[tilespmem:$0x18E80] =	vst v63  }
0x192: {  	_ =	swait.ge [sflag:s5], $0x3E80  }
0x193: {  	[sflag:s5] =	ssyncset.done $0x0  }
0x194: {  	s22 =	rddreg [dreg:$0x12];
	[sflag:s5] =	ssyncadd.s32 $0xFFFFC180  }
0x195: {  	[tilespmem:s9], [sflag:$0x1] =	stream.linear.gather [hbm4b:s22+s2], $0x3E80, $0x38;
	[tilespmem:$0x18E80] =	vst v63  }
0x196: {  	_ =	swait.ge [sflag:s23], $0x3E80  }
0x197: {  	[sflag:s23] =	ssyncset.done $0x0  }
0x198: {  	s28 =	rddreg [dreg:$0x1e];
	[sflag:s23] =	ssyncadd.s32 $0xFFFFC180  }
0x199: {  	[spmem:s1] =	stream.indirect.scatter.add.f32 [tilespmem:s19], [sflag:$0xA], $0x80, s28, s10, $0xb8;
	[tilespmem:$0x18E80] =	vst v63  }
0x19a: {  	_ =	swait.ge [sflag:s6], $0x3E80  }
0x19b: {  	[sflag:s6] =	ssyncset.done $0x0  }
0x19c: {  	s22 =	rddreg [dreg:$0x13];
	[sflag:s6] =	ssyncadd.s32 $0xFFFFC180  }
0x19d: {  	[tilespmem:s7], [sflag:$0x2] =	stream.linear.gather [hbm4b:s22+s2], $0x3E80, $0x38;
	[tilespmem:$0x18E80] =	vst v63  }
0x19e: {  	_ =	swait.ge [sflag:s21], $0x3E80  }
0x19f: {  	[sflag:s21] =	ssyncset.done $0x0  }
0x1a0: {  	s23 =	rddreg [dreg:$0x1f];
	[sflag:s21] =	ssyncadd.s32 $0xFFFFC180  }
0x1a1: {  	[spmem:s1] =	stream.indirect.scatter.add.f32 [tilespmem:s15], [sflag:$0xB], $0x80, s23, s10, $0xb8;
	[tilespmem:$0x18E80] =	vst v63  }
0x1a2: {  	_ =	swait.ge [sflag:s8], $0x3E80  }
0x1a3: {  	[sflag:s8] =	ssyncset.done $0x0  }
0x1a4: {  	s28 =	rddreg [dreg:$0x14];
	[sflag:s8] =	ssyncadd.s32 $0xFFFFC180  }
0x1a5: {  	[tilespmem:s4], [sflag:$0x3] =	stream.linear.gather [hbm4b:s28+s2], $0x3E80, $0x38;
	[tilespmem:$0x18E80] =	vst v63  }
0x1a6: {  	_ =	swait.ge [sflag:s20], $0x3E80  }
0x1a7: {  	[sflag:s20] =	ssyncset.done $0x0  }
0x1a8: {  	[sflag:s20] =	ssyncadd.s32 $0xFFFFC180  }
0x1a9: {  	[spmem:s1] =	stream.indirect.scatter.add.f32 [tilespmem:s14], [sflag:$0xC], $0x80, s25, s10, $0xb8;
	[tilespmem:$0x18E80] =	vst v63  }
0x1aa: {  	_ =	swait.ge [sflag:s12], $0x3E80  }
0x1ab: {  	[sflag:s12] =	ssyncset.done $0x0  }
0x1ac: {  	[sflag:s12] =	ssyncadd.s32 $0xFFFFC180  }
0x1ad: {  	[spmem:s1] =	stream.indirect.scatter.add.f32 [tilespmem:s9], [sflag:$0x7], $0x80, s26, s10, $0xb8;
	[tilespmem:$0x18E80] =	vst v63  }
0x1ae: {  	_ =	swait.ge [sflag:s13], $0x3E80  }
0x1af: {  	[sflag:s13] =	ssyncset.done $0x0  }
0x1b0: {  	[sflag:s13] =	ssyncadd.s32 $0xFFFFC180  }
0x1b1: {  	[spmem:s1] =	stream.indirect.scatter.add.f32 [tilespmem:s7], [sflag:$0x8], $0x80, s24, s10, $0xb8;
	[tilespmem:$0x18E80] =	vst v63  }
0x1b2: {  	_ =	swait.ge [sflag:s11], $0x3E80  }
0x1b3: {  	[sflag:s11] =	ssyncset.done $0x0  }
0x1b4: {  	[sflag:s11] =	ssyncadd.s32 $0xFFFFC180  }
0x1b5: {  	[spmem:s1] =	stream.indirect.scatter.add.f32 [tilespmem:s4], [sflag:$0x9], $0x80, s30, s10, $0xb8;
	[tilespmem:$0x18E80] =	vst v63  }
0x1b6: {  	_ =	swait.ge [sflag:s16], $0x3E80  }
0x1b7: {  	[sflag:s16] =	ssyncset.done $0x0  }
0x1b8: {  	[sflag:s16] =	ssyncadd.s32 $0xFFFFC180  }
0x1b9: {  	_ =	swait.ge [sflag:s17], $0x3E80  }
0x1ba: {  	[sflag:s17] =	ssyncset.done $0x0  }
0x1bb: {  	[sflag:s17] =	ssyncadd.s32 $0xFFFFC180  }
0x1bc: {  	_ =	swait.ge [sflag:s18], $0x3E80  }
0x1bd: {  	[sflag:s18] =	ssyncset.done $0x0  }
0x1be: {  	[sflag:s18] =	ssyncadd.s32 $0xFFFFC180  }
0x1bf: {  	_ =	swait.ge [sflag:s5], $0x3E80  }
0x1c0: {  	[sflag:s5] =	ssyncset.done $0x0  }
0x1c1: {  	[sflag:s5] =	ssyncadd.s32 $0xFFFFC180  }
0x1c2: {  	_ =	swait.ge [sflag:s6], $0x3E80  }
0x1c3: {  	[sflag:s6] =	ssyncset.done $0x0  }
0x1c4: {  	[sflag:s6] =	ssyncadd.s32 $0xFFFFC180  }
0x1c5: {  	_ =	swait.ge [sflag:s8], $0x3E80  }
0x1c6: {  	[sflag:s8] =	ssyncset.done $0x0  }
0x1c7: {  	[sflag:s8] =	ssyncadd.s32 $0xFFFFC180  }
0x1c8: {  	[bflag:$0x0] =	sbarrier.arrive $0xFFFF  }
0x1c9: {  	s1 =	simm.s32 @!p0 $0x1C0D;
	s0 =	rddreg [dreg:$0x15]  }
0x1ca: {  	[hbm:s0], [sflag:s1] =	dma.local @!p0 [spmem:s3], $0x2000  }
0x1cb: {  	_ =	swait.ge @!p0 [sflag:s29], $0x2000  }
0x1cc: {  	[sflag:s29] =	ssyncset.done @!p0 $0x0  }
0x1cd: {  	[sflag:s29] =	ssyncadd.s32 @!p0 $0xFFFFE000  }
0x1ce: {  	_ =	sfence.sel $0x180000  }
0x1cf: {  	[bflag:$0x0] =	sbarrier.arrive $0xFFFF  }
0x1d0: {  	_ =	strace $0x90000047  }
0x1d1: {  	s0 =	sadd.s32 @!p0 $0x100000, s31;
	[bflag:$0x2] =	sbarrier.arrive $0xFFFF  }
0x1d2: {  	[sflag:s0] =	ssyncadd.tile.s32 @!p0 $0x1;
	_ =	shalt  }
.LBB2_1:
.Ltmp3:
0x1d3: {  	(pc) =	sbr.rel .LBB2_6-.Ltmp3, $2  }
0x1d4: {  	_ =	sdelay $0x2  }
0x1d5: {  	s30 =	simm.s32 $0x700  }
.LBB2_3:
.Ltmp4:
0x1d6: {  	(pc) =	sbr.rel .LBB2_6-.Ltmp4, $2  }
0x1d7: {  	_ =	sdelay $0x2  }
0x1d8: {  	s30 =	simm.s32 $0x700;
	s31 =	rddreg [dreg:$0x3]  }
.Lfunc_end2:
_tile_overlayer_lowered:
.L_overlay_start_2:
0x1d9: {  	(tag) =	ssettag $0x2  }
0x1da: {  	s0 =	rddreg [dreg:$0x0];
	s2 =	stileid.u32  }
0x1db: {  	s1 =	rddreg [dreg:$0x1];
	p0 =	sne.s32 s2, $0x0  }
0x1dc: {  	s3 =	rddreg [dreg:$0x2];
	[bflag:$0x3] =	sbarrier.arrive $0xFFFF;
	s2 =	simm.s32 @!p0 $0x1C0D  }
0x1dd: {  	[timem:s3], [sflag:s2] =	dma.local @!p0 [hbm:s0], s1  }
0x1de: {  	s0 =	simm.s32 @!p0 $0xD  }
0x1df: {  	_ =	swait.ge @!p0 [sflag:s0], s1  }
0x1e0: {  	s1 =	ssub.s32 @!p0 $0x0, s1;
	[sflag:s0] =	ssyncset.done @!p0 $0x0  }
0x1e1: {  	[sflag:s0] =	ssyncadd.s32 @!p0 s1  }
0x1e2: {  	[bflag:$0x3] =	sbarrier.arrive $0xFFFF  }
0x1e3: {  	_ =	shalt  }

</sc_bundles>
